<compile_context>
chip_gen: v7x
topology: tpu7x:2x2x1
jax: 0.10.2.dev20260603
libtpu: 0.0.44.dev20260713+nightly
codegen_flags: <defaults>
</compile_context>

<pallas_src>
import jax
import jax.numpy as jnp
from jax import lax
from jax.experimental import pallas as pl
from jax.experimental.pallas import tpu as pltpu
from jax.experimental.pallas import tpu_sc as plsc

_NC, _NS, _L = 2, 16, 16
_NW = _NC * _NS
_ROWS, _COLS = 64, 32768
_SCROWS = 32
_TCROWS = _ROWS - _SCROWS
_CHUNKW = 4096
_CPR = _COLS // _CHUNKW
_NBUF = 4
_OPAD = 8
_UNROLL = 8


def _insert(m1, m2, m3, v):
    t1 = jnp.maximum(m1, v)
    v = jnp.minimum(m1, v)
    t2 = jnp.maximum(m2, v)
    v = jnp.minimum(m2, v)
    t3 = jnp.maximum(m3, v)
    return t1, t2, t3


def _pop_first(m1, m2, m3, g):
    eq = m1 == jnp.full((_L,), g)
    first = eq & (plsc.cumsum(eq.astype(jnp.int32)) == 1)
    return jnp.where(first, m2, m1), jnp.where(first, m3, m2), m3


def _sc_body(a_hbm, b_hbm, o_hbm, buf, bvec, ovec, sem0, sem1, sem2, sem3):
    wid = lax.axis_index("s") * _NC + lax.axis_index("c")
    neg = jnp.full((_L,), -jnp.inf, dtype=jnp.float32)
    sems = (sem0, sem1, sem2, sem3)

    def issue(k, slot):
        pltpu.async_copy(
            a_hbm.at[wid, pl.ds(k * _CHUNKW, _CHUNKW)],
            buf.at[pl.ds(slot * _CHUNKW, _CHUNKW)], sems[slot])

    for s in range(_NBUF):
        issue(s, s)

    pltpu.sync_copy(b_hbm, bvec.at[pl.ds(0, 3)])
    bv = bvec[...]
    b012 = (bv[0], bv[1], bv[2])

    def chunk_body(k, acc):
        slot = k % _NBUF
        for ss in range(_NBUF):
            @pl.when(slot == ss)
            def _slot(ss=ss):
                pltpu.make_async_copy(
                    a_hbm.at[wid, pl.ds(0, _CHUNKW)],
                    buf.at[pl.ds(0, _CHUNKW)], sems[ss]).wait()
        base = slot * _CHUNKW

        def vec_body(i, carry):
            a1, a2, a3, c1, c2, c3 = carry
            va = buf[pl.ds(base + i, _L)]
            vc = buf[pl.ds(base + i + _L, _L)]
            a1, a2, a3 = _insert(a1, a2, a3, va)
            c1, c2, c3 = _insert(c1, c2, c3, vc)
            return a1, a2, a3, c1, c2, c3

        acc = plsc.parallel_loop(
            0, _CHUNKW, 2 * _L, unroll=_UNROLL, carry=acc)(vec_body)

        @pl.when(k + _NBUF < _CPR)
        def _refill():
            for ss in range(_NBUF):
                @pl.when(slot == ss)
                def _re(ss=ss):
                    issue(k + _NBUF, ss)

        return acc

    acc = lax.fori_loop(0, _CPR, chunk_body, (neg, neg, neg, neg, neg, neg))

    a1, a2, a3, c1, c2, c3 = acc
    m1, m2, m3 = _insert(a1, a2, a3, c1)
    m1, m2, m3 = _insert(m1, m2, m3, c2)
    m1, m2, m3 = _insert(m1, m2, m3, c3)

    g1 = jnp.max(m1)
    m1, m2, m3 = _pop_first(m1, m2, m3, g1)
    g2 = jnp.max(m1)
    m1, m2, m3 = _pop_first(m1, m2, m3, g2)
    g3 = jnp.max(m1)

    lane = lax.iota(jnp.int32, _L)
    out = jnp.where(lane == 0, jnp.full((_L,), g1 * 2.0 + b012[0]),
          jnp.where(lane == 1, jnp.full((_L,), g2 * 2.0 + b012[1]),
                    jnp.full((_L,), g3 * 2.0 + b012[2])))
    ovec[...] = out
    pltpu.sync_copy(ovec.at[pl.ds(0, _OPAD)],
                    o_hbm.at[pl.ds(wid * _OPAD, _OPAD)])


_TCBLK = 4096
_TCGRID = _COLS // _TCBLK


def _tc_pop(m1, m2, m3, ids, big):
    g = jnp.max(m1, axis=1, keepdims=True)
    j = jnp.min(jnp.where(m1 == g, ids, big), axis=1, keepdims=True)
    sel = ids == j
    return g, jnp.where(sel, m2, m1), jnp.where(sel, m3, m2)


def _tc_body(a_ref, b_ref, o_ref, m1_ref, m2_ref, m3_ref):
    step = pl.program_id(0)
    neg = float("-inf")
    big = 2**30

    @pl.when(step == 0)
    def _init():
        full = jnp.full((_TCROWS, 128), neg, dtype=jnp.float32)
        m1_ref[...] = full
        m2_ref[...] = full
        m3_ref[...] = full

    x = a_ref[...]
    m1, m2, m3 = m1_ref[...], m2_ref[...], m3_ref[...]
    for j in range(_TCBLK // 128):
        v = x[:, j * 128:(j + 1) * 128]
        t1 = jnp.maximum(m1, v)
        v = jnp.minimum(m1, v)
        t2 = jnp.maximum(m2, v)
        v = jnp.minimum(m2, v)
        m3 = jnp.maximum(m3, v)
        m1, m2 = t1, t2
    m1_ref[...] = m1
    m2_ref[...] = m2
    m3_ref[...] = m3

    @pl.when(step == _TCGRID - 1)
    def _fin():
        ids = lax.broadcasted_iota(jnp.int32, (_TCROWS, 128), 1)
        g1, p1, p2 = _tc_pop(m1, m2, m3, ids, big)
        g2, q1, _ = _tc_pop(p1, p2, m3, ids, big)
        g3 = jnp.max(q1, axis=1, keepdims=True)
        b0, b1, b2 = b_ref[0], b_ref[1], b_ref[2]
        vals = jnp.where(ids == 0, g1 * 2.0 + b0,
               jnp.where(ids == 1, g2 * 2.0 + b1,
               jnp.where(ids == 2, g3 * 2.0 + b2, 0.0)))
        o_ref[...] = vals


@jax.jit
def kernel(a, b):
    sc_fn = pl.kernel(
        _sc_body,
        out_type=jax.ShapeDtypeStruct((_SCROWS * _OPAD,), jnp.float32),
        mesh=plsc.VectorSubcoreMesh(core_axis_name="c", subcore_axis_name="s"),
        compiler_params=pltpu.CompilerParams(needs_layout_passes=False),
        scratch_types=[
            pltpu.VMEM((_NBUF * _CHUNKW,), jnp.float32),
            pltpu.VMEM((_L,), jnp.float32),
            pltpu.VMEM((_L,), jnp.float32),
            pltpu.SemaphoreType.DMA,
            pltpu.SemaphoreType.DMA,
            pltpu.SemaphoreType.DMA,
            pltpu.SemaphoreType.DMA,
        ],
    )
    tc_out = pl.pallas_call(
        _tc_body,
        grid=(_TCGRID,),
        in_specs=[
            pl.BlockSpec((_TCROWS, _TCBLK), lambda i: (1, i)),
            pl.BlockSpec(memory_space=pltpu.SMEM),
        ],
        out_specs=pl.BlockSpec((_TCROWS, 128), lambda i: (0, 0)),
        out_shape=jax.ShapeDtypeStruct((_TCROWS, 128), jnp.float32),
        scratch_shapes=[
            pltpu.VMEM((_TCROWS, 128), jnp.float32),
            pltpu.VMEM((_TCROWS, 128), jnp.float32),
            pltpu.VMEM((_TCROWS, 128), jnp.float32),
        ],
    )(a, b)

    sc_out = sc_fn(a, b)

    return jnp.concatenate(
        [sc_out.reshape(_SCROWS, _OPAD)[:, :3], tc_out[:, :3]], axis=0)

# --- scband reference (transcript-rebuilt; emitter-appended) ---
"""Pipeline reference for scband-module-ops-return-multi-13615046328752 (READ-ONLY COPY).

The authoritative reference and input builder live on the scoring server;
editing this copy changes nothing except your own understanding.
"""

import jax, jax.numpy as jnp
import numpy as np

def setup_inputs(seed: int = 0) -> dict:
    key = jax.random.key(seed)
    k1, k2 = jax.random.split(key)
    a = jax.random.normal(k1, (64, 32768), dtype=jnp.float32)
    b = jax.random.normal(k2, (3,), dtype=jnp.float32)
    return {"a": a, "b": b}

def reference(a, b):
    # torch.topk(a, 3) -> values x, indices y; return x * 2 + b
    x, y = jax.lax.top_k(a, 3)
    return x * 2 + b

if __name__ == "__main__":
    import jax
    _d = setup_inputs()
    print(jax.jit(kernel)(*tuple(_d.values())))

</pallas_src>

<mosaic_0001>
#map = affine_map<(d0, d1) -> (0, 0)>
#map1 = affine_map<(d0, d1) -> (0)>
module attributes {stable_mosaic.version = 14 : i64} {
  func.func @_sc_body(%arg0: i32, %arg1: i32, %arg2: memref<64x32768xf32, #tpu.memory_space<hbm>>, %arg3: memref<3xf32, #tpu.memory_space<hbm>>, %arg4: memref<256xf32, #tpu.memory_space<hbm>>, %arg5: memref<16384xf32, #tpu.memory_space<vmem>>, %arg6: memref<16xf32, #tpu.memory_space<vmem>>, %arg7: memref<16xf32, #tpu.memory_space<vmem>>, %arg8: memref<!tpu.dma_semaphore, #tpu.memory_space<semaphore_mem>>, %arg9: memref<!tpu.dma_semaphore, #tpu.memory_space<semaphore_mem>>, %arg10: memref<!tpu.dma_semaphore, #tpu.memory_space<semaphore_mem>>, %arg11: memref<!tpu.dma_semaphore, #tpu.memory_space<semaphore_mem>>) attributes {dimension_semantics = [#tpu.dimension_semantics<core_parallel>, #tpu.dimension_semantics<subcore_parallel>], iteration_bounds = array<i64: 2, 16>, scalar_prefetch = 0 : i64, scratch_operands = 7 : i64, tpu.core_type = #tpu.core_type<sc_vector_subcore>, window_params = [{transform_indices = #map}, {transform_indices = #map1}, {transform_indices = #map1}]} {
    %mul3A = arith.constant 2 : i32
    %mul3A_0 = arith.muli %arg1, %mul3A : i32
    %add3A = arith.addi %mul3A_0, %arg0 : i32
    %broadcast_in_dim3A = arith.constant 0xFF800000 : f32
    %broadcast_in_dim3A_1 = vector.broadcast %broadcast_in_dim3A : f32 to vector<16xf32>
    %dma_start3A = arith.constant 0 : i32
    %dma_start3A_2 = tpu.memref_slice %arg5[%dma_start3A] : memref<16384xf32, #tpu.memory_space<vmem>> -> memref<4096xf32, #tpu.memory_space<vmem>>
    %dma_start3A_3 = arith.constant 0 : i32
    %dma_start3A_4 = tpu.memref_slice %arg2[%add3A, %dma_start3A_3] : memref<64x32768xf32, #tpu.memory_space<hbm>> -> memref<1x4096xf32, #tpu.memory_space<hbm>>
    %dma_start3A_5 = tpu.memref_squeeze %dma_start3A_4 : memref<1x4096xf32, #tpu.memory_space<hbm>> -> memref<4096xf32, #tpu.memory_space<hbm>>
    %dma_start3A_6 = arith.constant 0 : i32
    %dma_start3A_7 = tpu.memref_slice %arg5[%dma_start3A_6] : memref<16384xf32, #tpu.memory_space<vmem>> -> memref<4096xf32, #tpu.memory_space<vmem>>
    %dma_start3A_8 = arith.constant 0 : i32
    %dma_start3A_9 = tpu.memref_slice %arg2[%add3A, %dma_start3A_8] : memref<64x32768xf32, #tpu.memory_space<hbm>> -> memref<1x4096xf32, #tpu.memory_space<hbm>>
    %dma_start3A_10 = tpu.memref_squeeze %dma_start3A_9 : memref<1x4096xf32, #tpu.memory_space<hbm>> -> memref<4096xf32, #tpu.memory_space<hbm>>
    tpu.enqueue_dma source(%dma_start3A_10 : memref<4096xf32, #tpu.memory_space<hbm>>) target(%dma_start3A_7 : memref<4096xf32, #tpu.memory_space<vmem>>) target_semaphore(%arg8 : memref<!tpu.dma_semaphore, #tpu.memory_space<semaphore_mem>>)
    %dma_start3A_11 = arith.constant 4096 : i32
    %dma_start3A_12 = tpu.memref_slice %arg5[%dma_start3A_11] : memref<16384xf32, #tpu.memory_space<vmem>> -> memref<4096xf32, #tpu.memory_space<vmem>>
    %dma_start3A_13 = arith.constant 4096 : i32
    %dma_start3A_14 = tpu.memref_slice %arg2[%add3A, %dma_start3A_13] : memref<64x32768xf32, #tpu.memory_space<hbm>> -> memref<1x4096xf32, #tpu.memory_space<hbm>>
    %dma_start3A_15 = tpu.memref_squeeze %dma_start3A_14 : memref<1x4096xf32, #tpu.memory_space<hbm>> -> memref<4096xf32, #tpu.memory_space<hbm>>
    %dma_start3A_16 = arith.constant 4096 : i32
    %dma_start3A_17 = tpu.memref_slice %arg5[%dma_start3A_16] : memref<16384xf32, #tpu.memory_space<vmem>> -> memref<4096xf32, #tpu.memory_space<vmem>>
    %dma_start3A_18 = arith.constant 4096 : i32
    %dma_start3A_19 = tpu.memref_slice %arg2[%add3A, %dma_start3A_18] : memref<64x32768xf32, #tpu.memory_space<hbm>> -> memref<1x4096xf32, #tpu.memory_space<hbm>>
    %dma_start3A_20 = tpu.memref_squeeze %dma_start3A_19 : memref<1x4096xf32, #tpu.memory_space<hbm>> -> memref<4096xf32, #tpu.memory_space<hbm>>
    tpu.enqueue_dma source(%dma_start3A_20 : memref<4096xf32, #tpu.memory_space<hbm>>) target(%dma_start3A_17 : memref<4096xf32, #tpu.memory_space<vmem>>) target_semaphore(%arg9 : memref<!tpu.dma_semaphore, #tpu.memory_space<semaphore_mem>>)
    %dma_start3A_21 = arith.constant 8192 : i32
    %dma_start3A_22 = tpu.memref_slice %arg5[%dma_start3A_21] : memref<16384xf32, #tpu.memory_space<vmem>> -> memref<4096xf32, #tpu.memory_space<vmem>>
    %dma_start3A_23 = arith.constant 8192 : i32
    %dma_start3A_24 = tpu.memref_slice %arg2[%add3A, %dma_start3A_23] : memref<64x32768xf32, #tpu.memory_space<hbm>> -> memref<1x4096xf32, #tpu.memory_space<hbm>>
    %dma_start3A_25 = tpu.memref_squeeze %dma_start3A_24 : memref<1x4096xf32, #tpu.memory_space<hbm>> -> memref<4096xf32, #tpu.memory_space<hbm>>
    %dma_start3A_26 = arith.constant 8192 : i32
    %dma_start3A_27 = tpu.memref_slice %arg5[%dma_start3A_26] : memref<16384xf32, #tpu.memory_space<vmem>> -> memref<4096xf32, #tpu.memory_space<vmem>>
    %dma_start3A_28 = arith.constant 8192 : i32
    %dma_start3A_29 = tpu.memref_slice %arg2[%add3A, %dma_start3A_28] : memref<64x32768xf32, #tpu.memory_space<hbm>> -> memref<1x4096xf32, #tpu.memory_space<hbm>>
    %dma_start3A_30 = tpu.memref_squeeze %dma_start3A_29 : memref<1x4096xf32, #tpu.memory_space<hbm>> -> memref<4096xf32, #tpu.memory_space<hbm>>
    tpu.enqueue_dma source(%dma_start3A_30 : memref<4096xf32, #tpu.memory_space<hbm>>) target(%dma_start3A_27 : memref<4096xf32, #tpu.memory_space<vmem>>) target_semaphore(%arg10 : memref<!tpu.dma_semaphore, #tpu.memory_space<semaphore_mem>>)
    %dma_start3A_31 = arith.constant 12288 : i32
    %dma_start3A_32 = tpu.memref_slice %arg5[%dma_start3A_31] : memref<16384xf32, #tpu.memory_space<vmem>> -> memref<4096xf32, #tpu.memory_space<vmem>>
    %dma_start3A_33 = arith.constant 12288 : i32
    %dma_start3A_34 = tpu.memref_slice %arg2[%add3A, %dma_start3A_33] : memref<64x32768xf32, #tpu.memory_space<hbm>> -> memref<1x4096xf32, #tpu.memory_space<hbm>>
    %dma_start3A_35 = tpu.memref_squeeze %dma_start3A_34 : memref<1x4096xf32, #tpu.memory_space<hbm>> -> memref<4096xf32, #tpu.memory_space<hbm>>
    %dma_start3A_36 = arith.constant 12288 : i32
    %dma_start3A_37 = tpu.memref_slice %arg5[%dma_start3A_36] : memref<16384xf32, #tpu.memory_space<vmem>> -> memref<4096xf32, #tpu.memory_space<vmem>>
    %dma_start3A_38 = arith.constant 12288 : i32
    %dma_start3A_39 = tpu.memref_slice %arg2[%add3A, %dma_start3A_38] : memref<64x32768xf32, #tpu.memory_space<hbm>> -> memref<1x4096xf32, #tpu.memory_space<hbm>>
    %dma_start3A_40 = tpu.memref_squeeze %dma_start3A_39 : memref<1x4096xf32, #tpu.memory_space<hbm>> -> memref<4096xf32, #tpu.memory_space<hbm>>
    tpu.enqueue_dma source(%dma_start3A_40 : memref<4096xf32, #tpu.memory_space<hbm>>) target(%dma_start3A_37 : memref<4096xf32, #tpu.memory_space<vmem>>) target_semaphore(%arg11 : memref<!tpu.dma_semaphore, #tpu.memory_space<semaphore_mem>>)
    "tpu.region"() ({
      %run_scoped3A = tpu.sem_alloc : memref<!tpu.dma_semaphore, #tpu.memory_space<semaphore_mem>>
      %dma_start3A_117 = arith.constant 0 : i32
      %dma_start3A_118 = tpu.memref_slice %arg6[%dma_start3A_117] : memref<16xf32, #tpu.memory_space<vmem>> -> memref<3xf32, #tpu.memory_space<vmem>>
      %dma_start3A_119 = arith.constant 0 : i32
      %dma_start3A_120 = tpu.memref_slice %arg6[%dma_start3A_119] : memref<16xf32, #tpu.memory_space<vmem>> -> memref<3xf32, #tpu.memory_space<vmem>>
      tpu.enqueue_dma source(%arg3 : memref<3xf32, #tpu.memory_space<hbm>>) target(%dma_start3A_120 : memref<3xf32, #tpu.memory_space<vmem>>) target_semaphore(%run_scoped3A : memref<!tpu.dma_semaphore, #tpu.memory_space<semaphore_mem>>)
      %dma_wait3A = arith.constant 0 : i32
      %dma_wait3A_121 = tpu.memref_slice %arg6[%dma_wait3A] : memref<16xf32, #tpu.memory_space<vmem>> -> memref<3xf32, #tpu.memory_space<vmem>>
      %dma_wait3A_122 = arith.constant 0 : i32
      %dma_wait3A_123 = tpu.memref_slice %arg6[%dma_wait3A_122] : memref<16xf32, #tpu.memory_space<vmem>> -> memref<3xf32, #tpu.memory_space<vmem>>
      tpu.wait_dma2 semaphore(%run_scoped3A : memref<!tpu.dma_semaphore, #tpu.memory_space<semaphore_mem>>) src(%arg3 : memref<3xf32, #tpu.memory_space<hbm>>) dst(%dma_wait3A_123 : memref<3xf32, #tpu.memory_space<vmem>>)
      tpu.yield
    }) : () -> ()
    %get3A = arith.constant 0 : index
    %get3A_41 = tpu.vector_load %arg6[%get3A] {strides = array<i32>} : memref<16xf32, #tpu.memory_space<vmem>>, vector<16xf32>,
    %slice3A = vector.extract_strided_slice %get3A_41 {offsets = [0], sizes = [1], strides = [1]} : vector<16xf32> to vector<1xf32>
    %squeeze3A = vector.extract %slice3A[0] : f32 from vector<1xf32>
    %slice3A_42 = vector.extract_strided_slice %get3A_41 {offsets = [1], sizes = [1], strides = [1]} : vector<16xf32> to vector<1xf32>
    %squeeze3A_43 = vector.extract %slice3A_42[0] : f32 from vector<1xf32>
    %slice3A_44 = vector.extract_strided_slice %get3A_41 {offsets = [2], sizes = [1], strides = [1]} : vector<16xf32> to vector<1xf32>
    %squeeze3A_45 = vector.extract %slice3A_44[0] : f32 from vector<1xf32>
    %scan3A = arith.constant 0 : i32
    %scan3A_46 = arith.constant 8 : i32
    %scan3A_47 = arith.addi %scan3A, %scan3A_46 : i32
    %scan3A_48 = arith.constant 1 : i32
    %scan3A_49:6 = scf.for %scan3A_117 = %scan3A to %scan3A_47 step %scan3A_48 iter_args(%scan3A_118 = %broadcast_in_dim3A_1, %scan3A_119 = %broadcast_in_dim3A_1, %scan3A_120 = %broadcast_in_dim3A_1, %scan3A_121 = %broadcast_in_dim3A_1, %scan3A_122 = %broadcast_in_dim3A_1, %scan3A_123 = %broadcast_in_dim3A_1) -> (vector<16xf32>, vector<16xf32>, vector<16xf32>, vector<16xf32>, vector<16xf32>, vector<16xf32>)  : i32 {
      %jit3A = arith.constant 4 : i32
      %eq3A_124 = arith.constant 0 : i32
      %eq3A_125 = arith.cmpi eq, %jit3A, %eq3A_124 : i32
      %jit3A_126 = arith.constant 1 : i32
      %select_n3A_127 = arith.select %eq3A_125, %jit3A_126, %jit3A : i32
      %rem3A = arith.remsi %scan3A_117, %select_n3A_127 : i32
      %ne3A = arith.constant 0 : i32
      %ne3A_128 = arith.cmpi ne, %rem3A, %ne3A : i32
      %lt3A = arith.constant 0 : i32
      %lt3A_129 = arith.cmpi slt, %rem3A, %lt3A : i32
      %lt3A_130 = arith.constant 0 : i32
      %lt3A_131 = arith.cmpi slt, %select_n3A_127, %lt3A_130 : i32
      %ne3A_132 = arith.xori %lt3A_129, %lt3A_131 : i1
      %and3A_133 = arith.andi %ne3A_132, %ne3A_128 : i1
      %add3A_134 = arith.addi %rem3A, %select_n3A_127 : i32
      %select_n3A_135 = arith.select %and3A_133, %add3A_134, %rem3A : i32
      %eq3A_136 = arith.constant 0 : i32
      %eq3A_137 = arith.cmpi eq, %select_n3A_135, %eq3A_136 : i32
      %convert_element_type3A_138 = arith.extui %eq3A_137 : i1 to i32
      %cond3A = arith.constant 0 : i32
      %cond3A_139 = arith.cmpi ne, %convert_element_type3A_138, %cond3A : i32
      scf.if %cond3A_139 {
        %dma_wait3A = arith.constant 0 : i32
        %dma_wait3A_167 = tpu.memref_slice %arg5[%dma_wait3A] : memref<16384xf32, #tpu.memory_space<vmem>> -> memref<4096xf32, #tpu.memory_space<vmem>>
        %dma_wait3A_168 = arith.constant 0 : i32
        %dma_wait3A_169 = tpu.memref_slice %arg2[%add3A, %dma_wait3A_168] : memref<64x32768xf32, #tpu.memory_space<hbm>> -> memref<1x4096xf32, #tpu.memory_space<hbm>>
        %dma_wait3A_170 = tpu.memref_squeeze %dma_wait3A_169 : memref<1x4096xf32, #tpu.memory_space<hbm>> -> memref<4096xf32, #tpu.memory_space<hbm>>
        %dma_wait3A_171 = arith.constant 0 : i32
        %dma_wait3A_172 = tpu.memref_slice %arg5[%dma_wait3A_171] : memref<16384xf32, #tpu.memory_space<vmem>> -> memref<4096xf32, #tpu.memory_space<vmem>>
        %dma_wait3A_173 = arith.constant 0 : i32
        %dma_wait3A_174 = tpu.memref_slice %arg2[%add3A, %dma_wait3A_173] : memref<64x32768xf32, #tpu.memory_space<hbm>> -> memref<1x4096xf32, #tpu.memory_space<hbm>>
        %dma_wait3A_175 = tpu.memref_squeeze %dma_wait3A_174 : memref<1x4096xf32, #tpu.memory_space<hbm>> -> memref<4096xf32, #tpu.memory_space<hbm>>
        tpu.wait_dma2 semaphore(%arg8 : memref<!tpu.dma_semaphore, #tpu.memory_space<semaphore_mem>>) src(%dma_wait3A_175 : memref<4096xf32, #tpu.memory_space<hbm>>) dst(%dma_wait3A_172 : memref<4096xf32, #tpu.memory_space<vmem>>)
      } else {
      }
      %eq3A_140 = arith.constant 1 : i32
      %eq3A_141 = arith.cmpi eq, %select_n3A_135, %eq3A_140 : i32
      %convert_element_type3A_142 = arith.extui %eq3A_141 : i1 to i32
      %cond3A_143 = arith.constant 0 : i32
      %cond3A_144 = arith.cmpi ne, %convert_element_type3A_142, %cond3A_143 : i32
      scf.if %cond3A_144 {
        %dma_wait3A = arith.constant 0 : i32
        %dma_wait3A_167 = tpu.memref_slice %arg5[%dma_wait3A] : memref<16384xf32, #tpu.memory_space<vmem>> -> memref<4096xf32, #tpu.memory_space<vmem>>
        %dma_wait3A_168 = arith.constant 0 : i32
        %dma_wait3A_169 = tpu.memref_slice %arg2[%add3A, %dma_wait3A_168] : memref<64x32768xf32, #tpu.memory_space<hbm>> -> memref<1x4096xf32, #tpu.memory_space<hbm>>
        %dma_wait3A_170 = tpu.memref_squeeze %dma_wait3A_169 : memref<1x4096xf32, #tpu.memory_space<hbm>> -> memref<4096xf32, #tpu.memory_space<hbm>>
        %dma_wait3A_171 = arith.constant 0 : i32
        %dma_wait3A_172 = tpu.memref_slice %arg5[%dma_wait3A_171] : memref<16384xf32, #tpu.memory_space<vmem>> -> memref<4096xf32, #tpu.memory_space<vmem>>
        %dma_wait3A_173 = arith.constant 0 : i32
        %dma_wait3A_174 = tpu.memref_slice %arg2[%add3A, %dma_wait3A_173] : memref<64x32768xf32, #tpu.memory_space<hbm>> -> memref<1x4096xf32, #tpu.memory_space<hbm>>
        %dma_wait3A_175 = tpu.memref_squeeze %dma_wait3A_174 : memref<1x4096xf32, #tpu.memory_space<hbm>> -> memref<4096xf32, #tpu.memory_space<hbm>>
        tpu.wait_dma2 semaphore(%arg9 : memref<!tpu.dma_semaphore, #tpu.memory_space<semaphore_mem>>) src(%dma_wait3A_175 : memref<4096xf32, #tpu.memory_space<hbm>>) dst(%dma_wait3A_172 : memref<4096xf32, #tpu.memory_space<vmem>>)
      } else {
      }
      %eq3A_145 = arith.constant 2 : i32
      %eq3A_146 = arith.cmpi eq, %select_n3A_135, %eq3A_145 : i32
      %convert_element_type3A_147 = arith.extui %eq3A_146 : i1 to i32
      %cond3A_148 = arith.constant 0 : i32
      %cond3A_149 = arith.cmpi ne, %convert_element_type3A_147, %cond3A_148 : i32
      scf.if %cond3A_149 {
        %dma_wait3A = arith.constant 0 : i32
        %dma_wait3A_167 = tpu.memref_slice %arg5[%dma_wait3A] : memref<16384xf32, #tpu.memory_space<vmem>> -> memref<4096xf32, #tpu.memory_space<vmem>>
        %dma_wait3A_168 = arith.constant 0 : i32
        %dma_wait3A_169 = tpu.memref_slice %arg2[%add3A, %dma_wait3A_168] : memref<64x32768xf32, #tpu.memory_space<hbm>> -> memref<1x4096xf32, #tpu.memory_space<hbm>>
        %dma_wait3A_170 = tpu.memref_squeeze %dma_wait3A_169 : memref<1x4096xf32, #tpu.memory_space<hbm>> -> memref<4096xf32, #tpu.memory_space<hbm>>
        %dma_wait3A_171 = arith.constant 0 : i32
        %dma_wait3A_172 = tpu.memref_slice %arg5[%dma_wait3A_171] : memref<16384xf32, #tpu.memory_space<vmem>> -> memref<4096xf32, #tpu.memory_space<vmem>>
        %dma_wait3A_173 = arith.constant 0 : i32
        %dma_wait3A_174 = tpu.memref_slice %arg2[%add3A, %dma_wait3A_173] : memref<64x32768xf32, #tpu.memory_space<hbm>> -> memref<1x4096xf32, #tpu.memory_space<hbm>>
        %dma_wait3A_175 = tpu.memref_squeeze %dma_wait3A_174 : memref<1x4096xf32, #tpu.memory_space<hbm>> -> memref<4096xf32, #tpu.memory_space<hbm>>
        tpu.wait_dma2 semaphore(%arg10 : memref<!tpu.dma_semaphore, #tpu.memory_space<semaphore_mem>>) src(%dma_wait3A_175 : memref<4096xf32, #tpu.memory_space<hbm>>) dst(%dma_wait3A_172 : memref<4096xf32, #tpu.memory_space<vmem>>)
      } else {
      }
      %eq3A_150 = arith.constant 3 : i32
      %eq3A_151 = arith.cmpi eq, %select_n3A_135, %eq3A_150 : i32
      %convert_element_type3A_152 = arith.extui %eq3A_151 : i1 to i32
      %cond3A_153 = arith.constant 0 : i32
      %cond3A_154 = arith.cmpi ne, %convert_element_type3A_152, %cond3A_153 : i32
      scf.if %cond3A_154 {
        %dma_wait3A = arith.constant 0 : i32
        %dma_wait3A_167 = tpu.memref_slice %arg5[%dma_wait3A] : memref<16384xf32, #tpu.memory_space<vmem>> -> memref<4096xf32, #tpu.memory_space<vmem>>
        %dma_wait3A_168 = arith.constant 0 : i32
        %dma_wait3A_169 = tpu.memref_slice %arg2[%add3A, %dma_wait3A_168] : memref<64x32768xf32, #tpu.memory_space<hbm>> -> memref<1x4096xf32, #tpu.memory_space<hbm>>
        %dma_wait3A_170 = tpu.memref_squeeze %dma_wait3A_169 : memref<1x4096xf32, #tpu.memory_space<hbm>> -> memref<4096xf32, #tpu.memory_space<hbm>>
        %dma_wait3A_171 = arith.constant 0 : i32
        %dma_wait3A_172 = tpu.memref_slice %arg5[%dma_wait3A_171] : memref<16384xf32, #tpu.memory_space<vmem>> -> memref<4096xf32, #tpu.memory_space<vmem>>
        %dma_wait3A_173 = arith.constant 0 : i32
        %dma_wait3A_174 = tpu.memref_slice %arg2[%add3A, %dma_wait3A_173] : memref<64x32768xf32, #tpu.memory_space<hbm>> -> memref<1x4096xf32, #tpu.memory_space<hbm>>
        %dma_wait3A_175 = tpu.memref_squeeze %dma_wait3A_174 : memref<1x4096xf32, #tpu.memory_space<hbm>> -> memref<4096xf32, #tpu.memory_space<hbm>>
        tpu.wait_dma2 semaphore(%arg11 : memref<!tpu.dma_semaphore, #tpu.memory_space<semaphore_mem>>) src(%dma_wait3A_175 : memref<4096xf32, #tpu.memory_space<hbm>>) dst(%dma_wait3A_172 : memref<4096xf32, #tpu.memory_space<vmem>>)
      } else {
      }
      %mul3A_155 = arith.constant 4096 : i32
      %mul3A_156 = arith.muli %select_n3A_135, %mul3A_155 : i32
      %parallel_loop3A = arith.constant 0 : i32
      %parallel_loop3A_157 = arith.constant 4096 : i32
      %parallel_loop3A_158 = arith.constant 32 : i32
      %parallel_loop3A_159:6 = scf.for %parallel_loop3A_167 = %parallel_loop3A to %parallel_loop3A_157 step %parallel_loop3A_158 iter_args(%parallel_loop3A_168 = %scan3A_118, %parallel_loop3A_169 = %scan3A_119, %parallel_loop3A_170 = %scan3A_120, %parallel_loop3A_171 = %scan3A_121, %parallel_loop3A_172 = %scan3A_122, %parallel_loop3A_173 = %scan3A_123) -> (vector<16xf32>, vector<16xf32>, vector<16xf32>, vector<16xf32>, vector<16xf32>, vector<16xf32>)  : i32 {
        %parallel_loop3A_174 = arith.addi %mul3A_156, %parallel_loop3A_167 : i32
        %parallel_loop3A_175 = arith.index_cast %parallel_loop3A_174 : i32 to index
        %parallel_loop3A_176 = tpu.vector_load %arg5[%parallel_loop3A_175] {strides = array<i32>} : memref<16384xf32, #tpu.memory_space<vmem>>, vector<16xf32>,
        %parallel_loop3A_177 = arith.addi %mul3A_156, %parallel_loop3A_167 : i32
        %parallel_loop3A_178 = arith.constant 16 : i32
        %parallel_loop3A_179 = arith.addi %parallel_loop3A_177, %parallel_loop3A_178 : i32
        %parallel_loop3A_180 = arith.index_cast %parallel_loop3A_179 : i32 to index
        %parallel_loop3A_181 = tpu.vector_load %arg5[%parallel_loop3A_180] {strides = array<i32>} : memref<16384xf32, #tpu.memory_space<vmem>>, vector<16xf32>,
        %parallel_loop3A_182 = arith.maximumf %parallel_loop3A_168, %parallel_loop3A_176 : vector<16xf32>
        %parallel_loop3A_183 = arith.minimumf %parallel_loop3A_168, %parallel_loop3A_176 : vector<16xf32>
        %parallel_loop3A_184 = arith.maximumf %parallel_loop3A_169, %parallel_loop3A_183 : vector<16xf32>
        %parallel_loop3A_185 = arith.minimumf %parallel_loop3A_169, %parallel_loop3A_183 : vector<16xf32>
        %parallel_loop3A_186 = arith.maximumf %parallel_loop3A_170, %parallel_loop3A_185 : vector<16xf32>
        %parallel_loop3A_187 = arith.maximumf %parallel_loop3A_171, %parallel_loop3A_181 : vector<16xf32>
        %parallel_loop3A_188 = arith.minimumf %parallel_loop3A_171, %parallel_loop3A_181 : vector<16xf32>
        %parallel_loop3A_189 = arith.maximumf %parallel_loop3A_172, %parallel_loop3A_188 : vector<16xf32>
        %parallel_loop3A_190 = arith.minimumf %parallel_loop3A_172, %parallel_loop3A_188 : vector<16xf32>
        %parallel_loop3A_191 = arith.maximumf %parallel_loop3A_173, %parallel_loop3A_190 : vector<16xf32>
        scf.yield %parallel_loop3A_182, %parallel_loop3A_184, %parallel_loop3A_186, %parallel_loop3A_187, %parallel_loop3A_189, %parallel_loop3A_191 : vector<16xf32>, vector<16xf32>, vector<16xf32>, vector<16xf32>, vector<16xf32>, vector<16xf32>
      } {sc.loop_unroll_factor = 8 : i64, sc.parallel_access}
      %add3A_160 = arith.constant 4 : i32
      %add3A_161 = arith.addi %scan3A_117, %add3A_160 : i32
      %lt3A_162 = arith.constant 8 : i32
      %lt3A_163 = arith.cmpi slt, %add3A_161, %lt3A_162 : i32
      %convert_element_type3A_164 = arith.extui %lt3A_163 : i1 to i32
      %cond3A_165 = arith.constant 0 : i32
      %cond3A_166 = arith.cmpi ne, %convert_element_type3A_164, %cond3A_165 : i32
      scf.if %cond3A_166 {
        %eq3A_167 = arith.constant 0 : i32
        %eq3A_168 = arith.cmpi eq, %select_n3A_135, %eq3A_167 : i32
        %convert_element_type3A_169 = arith.extui %eq3A_168 : i1 to i32
        %cond3A_170 = arith.constant 0 : i32
        %cond3A_171 = arith.cmpi ne, %convert_element_type3A_169, %cond3A_170 : i32
        scf.if %cond3A_171 {
          %add3A_187 = arith.constant 4 : i32
          %add3A_188 = arith.addi %scan3A_117, %add3A_187 : i32
          %mul3A_189 = arith.constant 4096 : i32
          %mul3A_190 = arith.muli %add3A_188, %mul3A_189 : i32
          %dma_start3A_191 = arith.constant 0 : i32
          %dma_start3A_192 = tpu.memref_slice %arg5[%dma_start3A_191] : memref<16384xf32, #tpu.memory_space<vmem>> -> memref<4096xf32, #tpu.memory_space<vmem>>
          %dma_start3A_193 = tpu.memref_slice %arg2[%add3A, %mul3A_190] : memref<64x32768xf32, #tpu.memory_space<hbm>> -> memref<1x4096xf32, #tpu.memory_space<hbm>>
          %dma_start3A_194 = tpu.memref_squeeze %dma_start3A_193 : memref<1x4096xf32, #tpu.memory_space<hbm>> -> memref<4096xf32, #tpu.memory_space<hbm>>
          %dma_start3A_195 = arith.constant 0 : i32
          %dma_start3A_196 = tpu.memref_slice %arg5[%dma_start3A_195] : memref<16384xf32, #tpu.memory_space<vmem>> -> memref<4096xf32, #tpu.memory_space<vmem>>
          %dma_start3A_197 = tpu.memref_slice %arg2[%add3A, %mul3A_190] : memref<64x32768xf32, #tpu.memory_space<hbm>> -> memref<1x4096xf32, #tpu.memory_space<hbm>>
          %dma_start3A_198 = tpu.memref_squeeze %dma_start3A_197 : memref<1x4096xf32, #tpu.memory_space<hbm>> -> memref<4096xf32, #tpu.memory_space<hbm>>
          tpu.enqueue_dma source(%dma_start3A_198 : memref<4096xf32, #tpu.memory_space<hbm>>) target(%dma_start3A_196 : memref<4096xf32, #tpu.memory_space<vmem>>) target_semaphore(%arg8 : memref<!tpu.dma_semaphore, #tpu.memory_space<semaphore_mem>>)
        } else {
        }
        %eq3A_172 = arith.constant 1 : i32
        %eq3A_173 = arith.cmpi eq, %select_n3A_135, %eq3A_172 : i32
        %convert_element_type3A_174 = arith.extui %eq3A_173 : i1 to i32
        %cond3A_175 = arith.constant 0 : i32
        %cond3A_176 = arith.cmpi ne, %convert_element_type3A_174, %cond3A_175 : i32
        scf.if %cond3A_176 {
          %add3A_187 = arith.constant 4 : i32
          %add3A_188 = arith.addi %scan3A_117, %add3A_187 : i32
          %mul3A_189 = arith.constant 4096 : i32
          %mul3A_190 = arith.muli %add3A_188, %mul3A_189 : i32
          %dma_start3A_191 = arith.constant 4096 : i32
          %dma_start3A_192 = tpu.memref_slice %arg5[%dma_start3A_191] : memref<16384xf32, #tpu.memory_space<vmem>> -> memref<4096xf32, #tpu.memory_space<vmem>>
          %dma_start3A_193 = tpu.memref_slice %arg2[%add3A, %mul3A_190] : memref<64x32768xf32, #tpu.memory_space<hbm>> -> memref<1x4096xf32, #tpu.memory_space<hbm>>
          %dma_start3A_194 = tpu.memref_squeeze %dma_start3A_193 : memref<1x4096xf32, #tpu.memory_space<hbm>> -> memref<4096xf32, #tpu.memory_space<hbm>>
          %dma_start3A_195 = arith.constant 4096 : i32
          %dma_start3A_196 = tpu.memref_slice %arg5[%dma_start3A_195] : memref<16384xf32, #tpu.memory_space<vmem>> -> memref<4096xf32, #tpu.memory_space<vmem>>
          %dma_start3A_197 = tpu.memref_slice %arg2[%add3A, %mul3A_190] : memref<64x32768xf32, #tpu.memory_space<hbm>> -> memref<1x4096xf32, #tpu.memory_space<hbm>>
          %dma_start3A_198 = tpu.memref_squeeze %dma_start3A_197 : memref<1x4096xf32, #tpu.memory_space<hbm>> -> memref<4096xf32, #tpu.memory_space<hbm>>
          tpu.enqueue_dma source(%dma_start3A_198 : memref<4096xf32, #tpu.memory_space<hbm>>) target(%dma_start3A_196 : memref<4096xf32, #tpu.memory_space<vmem>>) target_semaphore(%arg9 : memref<!tpu.dma_semaphore, #tpu.memory_space<semaphore_mem>>)
        } else {
        }
        %eq3A_177 = arith.constant 2 : i32
        %eq3A_178 = arith.cmpi eq, %select_n3A_135, %eq3A_177 : i32
        %convert_element_type3A_179 = arith.extui %eq3A_178 : i1 to i32
        %cond3A_180 = arith.constant 0 : i32
        %cond3A_181 = arith.cmpi ne, %convert_element_type3A_179, %cond3A_180 : i32
        scf.if %cond3A_181 {
          %add3A_187 = arith.constant 4 : i32
          %add3A_188 = arith.addi %scan3A_117, %add3A_187 : i32
          %mul3A_189 = arith.constant 4096 : i32
          %mul3A_190 = arith.muli %add3A_188, %mul3A_189 : i32
          %dma_start3A_191 = arith.constant 8192 : i32
          %dma_start3A_192 = tpu.memref_slice %arg5[%dma_start3A_191] : memref<16384xf32, #tpu.memory_space<vmem>> -> memref<4096xf32, #tpu.memory_space<vmem>>
          %dma_start3A_193 = tpu.memref_slice %arg2[%add3A, %mul3A_190] : memref<64x32768xf32, #tpu.memory_space<hbm>> -> memref<1x4096xf32, #tpu.memory_space<hbm>>
          %dma_start3A_194 = tpu.memref_squeeze %dma_start3A_193 : memref<1x4096xf32, #tpu.memory_space<hbm>> -> memref<4096xf32, #tpu.memory_space<hbm>>
          %dma_start3A_195 = arith.constant 8192 : i32
          %dma_start3A_196 = tpu.memref_slice %arg5[%dma_start3A_195] : memref<16384xf32, #tpu.memory_space<vmem>> -> memref<4096xf32, #tpu.memory_space<vmem>>
          %dma_start3A_197 = tpu.memref_slice %arg2[%add3A, %mul3A_190] : memref<64x32768xf32, #tpu.memory_space<hbm>> -> memref<1x4096xf32, #tpu.memory_space<hbm>>
          %dma_start3A_198 = tpu.memref_squeeze %dma_start3A_197 : memref<1x4096xf32, #tpu.memory_space<hbm>> -> memref<4096xf32, #tpu.memory_space<hbm>>
          tpu.enqueue_dma source(%dma_start3A_198 : memref<4096xf32, #tpu.memory_space<hbm>>) target(%dma_start3A_196 : memref<4096xf32, #tpu.memory_space<vmem>>) target_semaphore(%arg10 : memref<!tpu.dma_semaphore, #tpu.memory_space<semaphore_mem>>)
        } else {
        }
        %eq3A_182 = arith.constant 3 : i32
        %eq3A_183 = arith.cmpi eq, %select_n3A_135, %eq3A_182 : i32
        %convert_element_type3A_184 = arith.extui %eq3A_183 : i1 to i32
        %cond3A_185 = arith.constant 0 : i32
        %cond3A_186 = arith.cmpi ne, %convert_element_type3A_184, %cond3A_185 : i32
        scf.if %cond3A_186 {
          %add3A_187 = arith.constant 4 : i32
          %add3A_188 = arith.addi %scan3A_117, %add3A_187 : i32
          %mul3A_189 = arith.constant 4096 : i32
          %mul3A_190 = arith.muli %add3A_188, %mul3A_189 : i32
          %dma_start3A_191 = arith.constant 12288 : i32
          %dma_start3A_192 = tpu.memref_slice %arg5[%dma_start3A_191] : memref<16384xf32, #tpu.memory_space<vmem>> -> memref<4096xf32, #tpu.memory_space<vmem>>
          %dma_start3A_193 = tpu.memref_slice %arg2[%add3A, %mul3A_190] : memref<64x32768xf32, #tpu.memory_space<hbm>> -> memref<1x4096xf32, #tpu.memory_space<hbm>>
          %dma_start3A_194 = tpu.memref_squeeze %dma_start3A_193 : memref<1x4096xf32, #tpu.memory_space<hbm>> -> memref<4096xf32, #tpu.memory_space<hbm>>
          %dma_start3A_195 = arith.constant 12288 : i32
          %dma_start3A_196 = tpu.memref_slice %arg5[%dma_start3A_195] : memref<16384xf32, #tpu.memory_space<vmem>> -> memref<4096xf32, #tpu.memory_space<vmem>>
          %dma_start3A_197 = tpu.memref_slice %arg2[%add3A, %mul3A_190] : memref<64x32768xf32, #tpu.memory_space<hbm>> -> memref<1x4096xf32, #tpu.memory_space<hbm>>
          %dma_start3A_198 = tpu.memref_squeeze %dma_start3A_197 : memref<1x4096xf32, #tpu.memory_space<hbm>> -> memref<4096xf32, #tpu.memory_space<hbm>>
          tpu.enqueue_dma source(%dma_start3A_198 : memref<4096xf32, #tpu.memory_space<hbm>>) target(%dma_start3A_196 : memref<4096xf32, #tpu.memory_space<vmem>>) target_semaphore(%arg11 : memref<!tpu.dma_semaphore, #tpu.memory_space<semaphore_mem>>)
        } else {
        }
      } else {
      }
      scf.yield %parallel_loop3A_159#0, %parallel_loop3A_159#1, %parallel_loop3A_159#2, %parallel_loop3A_159#3, %parallel_loop3A_159#4, %parallel_loop3A_159#5 : vector<16xf32>, vector<16xf32>, vector<16xf32>, vector<16xf32>, vector<16xf32>, vector<16xf32>
    }
    %scan3A_50 = arith.constant 8 : i32
    %max3A = arith.maximumf %scan3A_49#0, %scan3A_49#3 : vector<16xf32>
    %min3A = arith.minimumf %scan3A_49#0, %scan3A_49#3 : vector<16xf32>
    %max3A_51 = arith.maximumf %scan3A_49#1, %min3A : vector<16xf32>
    %min3A_52 = arith.minimumf %scan3A_49#1, %min3A : vector<16xf32>
    %max3A_53 = arith.maximumf %scan3A_49#2, %min3A_52 : vector<16xf32>
    %max3A_54 = arith.maximumf %max3A, %scan3A_49#4 : vector<16xf32>
    %min3A_55 = arith.minimumf %max3A, %scan3A_49#4 : vector<16xf32>
    %max3A_56 = arith.maximumf %max3A_51, %min3A_55 : vector<16xf32>
    %min3A_57 = arith.minimumf %max3A_51, %min3A_55 : vector<16xf32>
    %max3A_58 = arith.maximumf %max3A_53, %min3A_57 : vector<16xf32>
    %max3A_59 = arith.maximumf %max3A_54, %scan3A_49#5 : vector<16xf32>
    %min3A_60 = arith.minimumf %max3A_54, %scan3A_49#5 : vector<16xf32>
    %max3A_61 = arith.maximumf %max3A_56, %min3A_60 : vector<16xf32>
    %min3A_62 = arith.minimumf %max3A_56, %min3A_60 : vector<16xf32>
    %max3A_63 = arith.maximumf %max3A_58, %min3A_62 : vector<16xf32>
    %reduce_max3A = arith.constant true
    %reduce_max3A_64 = vector.broadcast %reduce_max3A : i1 to vector<16xi1>
    %reduce_max3A_65 = tpu.scan <max>, %max3A_59 masked %reduce_max3A_64 : vector<16xf32>, vector<16xi1> -> vector<16xf32>
    %reduce_max3A_66 = vector.extract %reduce_max3A_65[15] : f32 from vector<16xf32>
    %broadcast_in_dim3A_67 = vector.broadcast %reduce_max3A_66 : f32 to vector<16xf32>
    %eq3A = arith.cmpf oeq, %max3A_59, %broadcast_in_dim3A_67 : vector<16xf32>
    %convert_element_type3A = arith.extui %eq3A : vector<16xi1> to vector<16xi32>
    %broadcast_in_dim3A_68 = arith.constant true
    %broadcast_in_dim3A_69 = vector.broadcast %broadcast_in_dim3A_68 : i1 to vector<16xi1>
    %masked_cumsum3A = tpu.scan <sum>, %convert_element_type3A masked %broadcast_in_dim3A_69 : vector<16xi32>, vector<16xi1> -> vector<16xi32>
    %eq3A_70 = arith.constant 1 : i32
    %eq3A_71 = vector.broadcast %eq3A_70 : i32 to vector<16xi32>
    %eq3A_72 = arith.cmpi eq, %masked_cumsum3A, %eq3A_71 : vector<16xi32>
    %and3A = arith.andi %eq3A, %eq3A_72 : vector<16xi1>
    %select_n3A = arith.select %and3A, %max3A_61, %max3A_59 : vector<16xi1>, vector<16xf32>
    %select_n3A_73 = arith.select %and3A, %max3A_63, %max3A_61 : vector<16xi1>, vector<16xf32>
    %reduce_max3A_74 = arith.constant true
    %reduce_max3A_75 = vector.broadcast %reduce_max3A_74 : i1 to vector<16xi1>
    %reduce_max3A_76 = tpu.scan <max>, %select_n3A masked %reduce_max3A_75 : vector<16xf32>, vector<16xi1> -> vector<16xf32>
    %reduce_max3A_77 = vector.extract %reduce_max3A_76[15] : f32 from vector<16xf32>
    %broadcast_in_dim3A_78 = vector.broadcast %reduce_max3A_77 : f32 to vector<16xf32>
    %eq3A_79 = arith.cmpf oeq, %select_n3A, %broadcast_in_dim3A_78 : vector<16xf32>
    %convert_element_type3A_80 = arith.extui %eq3A_79 : vector<16xi1> to vector<16xi32>
    %broadcast_in_dim3A_81 = arith.constant true
    %broadcast_in_dim3A_82 = vector.broadcast %broadcast_in_dim3A_81 : i1 to vector<16xi1>
    %masked_cumsum3A_83 = tpu.scan <sum>, %convert_element_type3A_80 masked %broadcast_in_dim3A_82 : vector<16xi32>, vector<16xi1> -> vector<16xi32>
    %eq3A_84 = arith.constant 1 : i32
    %eq3A_85 = vector.broadcast %eq3A_84 : i32 to vector<16xi32>
    %eq3A_86 = arith.cmpi eq, %masked_cumsum3A_83, %eq3A_85 : vector<16xi32>
    %and3A_87 = arith.andi %eq3A_79, %eq3A_86 : vector<16xi1>
    %select_n3A_88 = arith.select %and3A_87, %select_n3A_73, %select_n3A : vector<16xi1>, vector<16xf32>
    %select_n3A_89 = arith.select %and3A_87, %max3A_63, %select_n3A_73 : vector<16xi1>, vector<16xf32>
    %reduce_max3A_90 = arith.constant true
    %reduce_max3A_91 = vector.broadcast %reduce_max3A_90 : i1 to vector<16xi1>
    %reduce_max3A_92 = tpu.scan <max>, %select_n3A_88 masked %reduce_max3A_91 : vector<16xf32>, vector<16xi1> -> vector<16xf32>
    %reduce_max3A_93 = vector.extract %reduce_max3A_92[15] : f32 from vector<16xf32>
    %iota3A = tpu.iota {dimensions = array<i32: 0>} : vector<16xi32>
    %eq3A_94 = arith.constant 0 : i32
    %eq3A_95 = vector.broadcast %eq3A_94 : i32 to vector<16xi32>
    %eq3A_96 = arith.cmpi eq, %iota3A, %eq3A_95 : vector<16xi32>
    %mul3A_97 = arith.constant 2.000000e+00 : f32
    %mul3A_98 = arith.mulf %reduce_max3A_66, %mul3A_97 : f32
    %add3A_99 = arith.addf %mul3A_98, %squeeze3A : f32
    %broadcast_in_dim3A_100 = vector.broadcast %add3A_99 : f32 to vector<16xf32>
    %eq3A_101 = arith.constant 1 : i32
    %eq3A_102 = vector.broadcast %eq3A_101 : i32 to vector<16xi32>
    %eq3A_103 = arith.cmpi eq, %iota3A, %eq3A_102 : vector<16xi32>
    %mul3A_104 = arith.constant 2.000000e+00 : f32
    %mul3A_105 = arith.mulf %reduce_max3A_77, %mul3A_104 : f32
    %add3A_106 = arith.addf %mul3A_105, %squeeze3A_43 : f32
    %broadcast_in_dim3A_107 = vector.broadcast %add3A_106 : f32 to vector<16xf32>
    %mul3A_108 = arith.constant 2.000000e+00 : f32
    %mul3A_109 = arith.mulf %reduce_max3A_93, %mul3A_108 : f32
    %add3A_110 = arith.addf %mul3A_109, %squeeze3A_45 : f32
    %broadcast_in_dim3A_111 = vector.broadcast %add3A_110 : f32 to vector<16xf32>
    %select_n3A_112 = arith.select %eq3A_103, %broadcast_in_dim3A_107, %broadcast_in_dim3A_111 : vector<16xi1>, vector<16xf32>
    %select_n3A_113 = arith.select %eq3A_96, %broadcast_in_dim3A_100, %select_n3A_112 : vector<16xi1>, vector<16xf32>
    %swap3A = arith.constant 0 : index
    %swap3A_114 = tpu.vector_load %arg7[%swap3A] {strides = array<i32>} : memref<16xf32, #tpu.memory_space<vmem>>, vector<16xf32>,
    tpu.vector_store %arg7[%swap3A], %select_n3A_113 {strides = array<i32>} : memref<16xf32, #tpu.memory_space<vmem>>, vector<16xf32>,
    %mul3A_115 = arith.constant 8 : i32
    %mul3A_116 = arith.muli %add3A, %mul3A_115 : i32
    "tpu.region"() ({
      %run_scoped3A = tpu.sem_alloc : memref<!tpu.dma_semaphore, #tpu.memory_space<semaphore_mem>>
      %dma_start3A_117 = arith.constant 0 : i32
      %dma_start3A_118 = tpu.memref_slice %arg7[%dma_start3A_117] : memref<16xf32, #tpu.memory_space<vmem>> -> memref<8xf32, #tpu.memory_space<vmem>>
      %dma_start3A_119 = tpu.memref_slice %arg4[%mul3A_116] : memref<256xf32, #tpu.memory_space<hbm>> -> memref<8xf32, #tpu.memory_space<hbm>>
      %dma_start3A_120 = tpu.memref_slice %arg4[%mul3A_116] : memref<256xf32, #tpu.memory_space<hbm>> -> memref<8xf32, #tpu.memory_space<hbm>>
      %dma_start3A_121 = arith.constant 0 : i32
      %dma_start3A_122 = tpu.memref_slice %arg7[%dma_start3A_121] : memref<16xf32, #tpu.memory_space<vmem>> -> memref<8xf32, #tpu.memory_space<vmem>>
      tpu.enqueue_dma source(%dma_start3A_122 : memref<8xf32, #tpu.memory_space<vmem>>) target(%dma_start3A_120 : memref<8xf32, #tpu.memory_space<hbm>>) target_semaphore(%run_scoped3A : memref<!tpu.dma_semaphore, #tpu.memory_space<semaphore_mem>>)
      %dma_wait3A = arith.constant 0 : i32
      %dma_wait3A_123 = tpu.memref_slice %arg7[%dma_wait3A] : memref<16xf32, #tpu.memory_space<vmem>> -> memref<8xf32, #tpu.memory_space<vmem>>
      %dma_wait3A_124 = tpu.memref_slice %arg4[%mul3A_116] : memref<256xf32, #tpu.memory_space<hbm>> -> memref<8xf32, #tpu.memory_space<hbm>>
      %dma_wait3A_125 = tpu.memref_slice %arg4[%mul3A_116] : memref<256xf32, #tpu.memory_space<hbm>> -> memref<8xf32, #tpu.memory_space<hbm>>
      %dma_wait3A_126 = arith.constant 0 : i32
      %dma_wait3A_127 = tpu.memref_slice %arg7[%dma_wait3A_126] : memref<16xf32, #tpu.memory_space<vmem>> -> memref<8xf32, #tpu.memory_space<vmem>>
      tpu.wait_dma2 semaphore(%run_scoped3A : memref<!tpu.dma_semaphore, #tpu.memory_space<semaphore_mem>>) src(%dma_wait3A_127 : memref<8xf32, #tpu.memory_space<vmem>>) dst(%dma_wait3A_125 : memref<8xf32, #tpu.memory_space<hbm>>)
      tpu.yield
    }) : () -> ()
    return
  }
}

module attributes {stable_mosaic.version = 14 : i64} {
  func.func @_tc_body(%arg0: i32, %arg1: memref<32x4096xf32, #tpu.memory_space<vmem>>, %arg2: memref<3xf32, #tpu.memory_space<smem>>, %arg3: memref<32x128xf32, #tpu.memory_space<vmem>>, %arg4: memref<32x128xf32, #tpu.memory_space<vmem>>, %arg5: memref<32x128xf32, #tpu.memory_space<vmem>>, %arg6: memref<32x128xf32, #tpu.memory_space<vmem>>) attributes {dimension_semantics = [#tpu.dimension_semantics<arbitrary>], iteration_bounds = array<i64: 8>, scalar_prefetch = 0 : i64, scratch_operands = 3 : i64, tpu.core_type = #tpu.core_type<tc>, window_params = [{transform_indices = @transform_0, window_bounds = array<i64: 32, 4096>}, {transform_indices = @transform_1, window_bounds = array<i64: 3>}, {pipeline_mode = #tpu.pipeline_mode<synchronous>, transform_indices = @transform_2, window_bounds = array<i64: 32, 128>}]} {
    %eq3A = arith.constant 0 : i32
    %eq3A_0 = arith.cmpi eq, %arg0, %eq3A : i32
    %convert_element_type3A = arith.extui %eq3A_0 : i1 to i32
    %cond3A = arith.constant 0 : i32
    %cond3A_1 = arith.cmpi ne, %convert_element_type3A, %cond3A : i32
    scf.if %cond3A_1 {
      %broadcast_in_dim3A = arith.constant 0xFF800000 : f32
      %broadcast_in_dim3A_215 = vector.broadcast %broadcast_in_dim3A : f32 to vector<32x128xf32>
      %swap3A_216 = arith.constant 0 : index
      %swap3A_217 = arith.constant 0 : index
      %swap3A_218 = vector.load %arg4[%swap3A_216, %swap3A_217] : memref<32x128xf32, #tpu.memory_space<vmem>>, vector<32x128xf32>
      tpu.vector_store %arg4[%swap3A_216, %swap3A_217], %broadcast_in_dim3A_215 {strides = array<i32>} : memref<32x128xf32, #tpu.memory_space<vmem>>, vector<32x128xf32>,
      %swap3A_219 = arith.constant 0 : index
      %swap3A_220 = arith.constant 0 : index
      %swap3A_221 = vector.load %arg5[%swap3A_219, %swap3A_220] : memref<32x128xf32, #tpu.memory_space<vmem>>, vector<32x128xf32>
      tpu.vector_store %arg5[%swap3A_219, %swap3A_220], %broadcast_in_dim3A_215 {strides = array<i32>} : memref<32x128xf32, #tpu.memory_space<vmem>>, vector<32x128xf32>,
      %swap3A_222 = arith.constant 0 : index
      %swap3A_223 = arith.constant 0 : index
      %swap3A_224 = vector.load %arg6[%swap3A_222, %swap3A_223] : memref<32x128xf32, #tpu.memory_space<vmem>>, vector<32x128xf32>
      tpu.vector_store %arg6[%swap3A_222, %swap3A_223], %broadcast_in_dim3A_215 {strides = array<i32>} : memref<32x128xf32, #tpu.memory_space<vmem>>, vector<32x128xf32>,
    } else {
    }
    %get3A = arith.constant 0 : index
    %get3A_2 = arith.constant 0 : index
    %get3A_3 = vector.load %arg1[%get3A, %get3A_2] : memref<32x4096xf32, #tpu.memory_space<vmem>>, vector<32x4096xf32>
    %get3A_4 = arith.constant 0 : index
    %get3A_5 = arith.constant 0 : index
    %get3A_6 = vector.load %arg4[%get3A_4, %get3A_5] : memref<32x128xf32, #tpu.memory_space<vmem>>, vector<32x128xf32>
    %get3A_7 = arith.constant 0 : index
    %get3A_8 = arith.constant 0 : index
    %get3A_9 = vector.load %arg5[%get3A_7, %get3A_8] : memref<32x128xf32, #tpu.memory_space<vmem>>, vector<32x128xf32>
    %get3A_10 = arith.constant 0 : index
    %get3A_11 = arith.constant 0 : index
    %get3A_12 = vector.load %arg6[%get3A_10, %get3A_11] : memref<32x128xf32, #tpu.memory_space<vmem>>, vector<32x128xf32>
    %slice3A = vector.extract_strided_slice %get3A_3 {offsets = [0, 0], sizes = [32, 128], strides = [1, 1]} : vector<32x4096xf32> to vector<32x128xf32>
    %max3A = arith.maximumf %get3A_6, %slice3A : vector<32x128xf32>
    %min3A = arith.minimumf %get3A_6, %slice3A : vector<32x128xf32>
    %max3A_13 = arith.maximumf %get3A_9, %min3A : vector<32x128xf32>
    %min3A_14 = arith.minimumf %get3A_9, %min3A : vector<32x128xf32>
    %max3A_15 = arith.maximumf %get3A_12, %min3A_14 : vector<32x128xf32>
    %slice3A_16 = vector.extract_strided_slice %get3A_3 {offsets = [0, 128], sizes = [32, 128], strides = [1, 1]} : vector<32x4096xf32> to vector<32x128xf32>
    %max3A_17 = arith.maximumf %max3A, %slice3A_16 : vector<32x128xf32>
    %min3A_18 = arith.minimumf %max3A, %slice3A_16 : vector<32x128xf32>
    %max3A_19 = arith.maximumf %max3A_13, %min3A_18 : vector<32x128xf32>
    %min3A_20 = arith.minimumf %max3A_13, %min3A_18 : vector<32x128xf32>
    %max3A_21 = arith.maximumf %max3A_15, %min3A_20 : vector<32x128xf32>
    %slice3A_22 = vector.extract_strided_slice %get3A_3 {offsets = [0, 256], sizes = [32, 128], strides = [1, 1]} : vector<32x4096xf32> to vector<32x128xf32>
    %max3A_23 = arith.maximumf %max3A_17, %slice3A_22 : vector<32x128xf32>
    %min3A_24 = arith.minimumf %max3A_17, %slice3A_22 : vector<32x128xf32>
    %max3A_25 = arith.maximumf %max3A_19, %min3A_24 : vector<32x128xf32>
    %min3A_26 = arith.minimumf %max3A_19, %min3A_24 : vector<32x128xf32>
    %max3A_27 = arith.maximumf %max3A_21, %min3A_26 : vector<32x128xf32>
    %slice3A_28 = vector.extract_strided_slice %get3A_3 {offsets = [0, 384], sizes = [32, 128], strides = [1, 1]} : vector<32x4096xf32> to vector<32x128xf32>
    %max3A_29 = arith.maximumf %max3A_23, %slice3A_28 : vector<32x128xf32>
    %min3A_30 = arith.minimumf %max3A_23, %slice3A_28 : vector<32x128xf32>
    %max3A_31 = arith.maximumf %max3A_25, %min3A_30 : vector<32x128xf32>
    %min3A_32 = arith.minimumf %max3A_25, %min3A_30 : vector<32x128xf32>
    %max3A_33 = arith.maximumf %max3A_27, %min3A_32 : vector<32x128xf32>
    %slice3A_34 = vector.extract_strided_slice %get3A_3 {offsets = [0, 512], sizes = [32, 128], strides = [1, 1]} : vector<32x4096xf32> to vector<32x128xf32>
    %max3A_35 = arith.maximumf %max3A_29, %slice3A_34 : vector<32x128xf32>
    %min3A_36 = arith.minimumf %max3A_29, %slice3A_34 : vector<32x128xf32>
    %max3A_37 = arith.maximumf %max3A_31, %min3A_36 : vector<32x128xf32>
    %min3A_38 = arith.minimumf %max3A_31, %min3A_36 : vector<32x128xf32>
    %max3A_39 = arith.maximumf %max3A_33, %min3A_38 : vector<32x128xf32>
    %slice3A_40 = vector.extract_strided_slice %get3A_3 {offsets = [0, 640], sizes = [32, 128], strides = [1, 1]} : vector<32x4096xf32> to vector<32x128xf32>
    %max3A_41 = arith.maximumf %max3A_35, %slice3A_40 : vector<32x128xf32>
    %min3A_42 = arith.minimumf %max3A_35, %slice3A_40 : vector<32x128xf32>
    %max3A_43 = arith.maximumf %max3A_37, %min3A_42 : vector<32x128xf32>
    %min3A_44 = arith.minimumf %max3A_37, %min3A_42 : vector<32x128xf32>
    %max3A_45 = arith.maximumf %max3A_39, %min3A_44 : vector<32x128xf32>
    %slice3A_46 = vector.extract_strided_slice %get3A_3 {offsets = [0, 768], sizes = [32, 128], strides = [1, 1]} : vector<32x4096xf32> to vector<32x128xf32>
    %max3A_47 = arith.maximumf %max3A_41, %slice3A_46 : vector<32x128xf32>
    %min3A_48 = arith.minimumf %max3A_41, %slice3A_46 : vector<32x128xf32>
    %max3A_49 = arith.maximumf %max3A_43, %min3A_48 : vector<32x128xf32>
    %min3A_50 = arith.minimumf %max3A_43, %min3A_48 : vector<32x128xf32>
    %max3A_51 = arith.maximumf %max3A_45, %min3A_50 : vector<32x128xf32>
    %slice3A_52 = vector.extract_strided_slice %get3A_3 {offsets = [0, 896], sizes = [32, 128], strides = [1, 1]} : vector<32x4096xf32> to vector<32x128xf32>
    %max3A_53 = arith.maximumf %max3A_47, %slice3A_52 : vector<32x128xf32>
    %min3A_54 = arith.minimumf %max3A_47, %slice3A_52 : vector<32x128xf32>
    %max3A_55 = arith.maximumf %max3A_49, %min3A_54 : vector<32x128xf32>
    %min3A_56 = arith.minimumf %max3A_49, %min3A_54 : vector<32x128xf32>
    %max3A_57 = arith.maximumf %max3A_51, %min3A_56 : vector<32x128xf32>
    %slice3A_58 = vector.extract_strided_slice %get3A_3 {offsets = [0, 1024], sizes = [32, 128], strides = [1, 1]} : vector<32x4096xf32> to vector<32x128xf32>
    %max3A_59 = arith.maximumf %max3A_53, %slice3A_58 : vector<32x128xf32>
    %min3A_60 = arith.minimumf %max3A_53, %slice3A_58 : vector<32x128xf32>
    %max3A_61 = arith.maximumf %max3A_55, %min3A_60 : vector<32x128xf32>
    %min3A_62 = arith.minimumf %max3A_55, %min3A_60 : vector<32x128xf32>
    %max3A_63 = arith.maximumf %max3A_57, %min3A_62 : vector<32x128xf32>
    %slice3A_64 = vector.extract_strided_slice %get3A_3 {offsets = [0, 1152], sizes = [32, 128], strides = [1, 1]} : vector<32x4096xf32> to vector<32x128xf32>
    %max3A_65 = arith.maximumf %max3A_59, %slice3A_64 : vector<32x128xf32>
    %min3A_66 = arith.minimumf %max3A_59, %slice3A_64 : vector<32x128xf32>
    %max3A_67 = arith.maximumf %max3A_61, %min3A_66 : vector<32x128xf32>
    %min3A_68 = arith.minimumf %max3A_61, %min3A_66 : vector<32x128xf32>
    %max3A_69 = arith.maximumf %max3A_63, %min3A_68 : vector<32x128xf32>
    %slice3A_70 = vector.extract_strided_slice %get3A_3 {offsets = [0, 1280], sizes = [32, 128], strides = [1, 1]} : vector<32x4096xf32> to vector<32x128xf32>
    %max3A_71 = arith.maximumf %max3A_65, %slice3A_70 : vector<32x128xf32>
    %min3A_72 = arith.minimumf %max3A_65, %slice3A_70 : vector<32x128xf32>
    %max3A_73 = arith.maximumf %max3A_67, %min3A_72 : vector<32x128xf32>
    %min3A_74 = arith.minimumf %max3A_67, %min3A_72 : vector<32x128xf32>
    %max3A_75 = arith.maximumf %max3A_69, %min3A_74 : vector<32x128xf32>
    %slice3A_76 = vector.extract_strided_slice %get3A_3 {offsets = [0, 1408], sizes = [32, 128], strides = [1, 1]} : vector<32x4096xf32> to vector<32x128xf32>
    %max3A_77 = arith.maximumf %max3A_71, %slice3A_76 : vector<32x128xf32>
    %min3A_78 = arith.minimumf %max3A_71, %slice3A_76 : vector<32x128xf32>
    %max3A_79 = arith.maximumf %max3A_73, %min3A_78 : vector<32x128xf32>
    %min3A_80 = arith.minimumf %max3A_73, %min3A_78 : vector<32x128xf32>
    %max3A_81 = arith.maximumf %max3A_75, %min3A_80 : vector<32x128xf32>
    %slice3A_82 = vector.extract_strided_slice %get3A_3 {offsets = [0, 1536], sizes = [32, 128], strides = [1, 1]} : vector<32x4096xf32> to vector<32x128xf32>
    %max3A_83 = arith.maximumf %max3A_77, %slice3A_82 : vector<32x128xf32>
    %min3A_84 = arith.minimumf %max3A_77, %slice3A_82 : vector<32x128xf32>
    %max3A_85 = arith.maximumf %max3A_79, %min3A_84 : vector<32x128xf32>
    %min3A_86 = arith.minimumf %max3A_79, %min3A_84 : vector<32x128xf32>
    %max3A_87 = arith.maximumf %max3A_81, %min3A_86 : vector<32x128xf32>
    %slice3A_88 = vector.extract_strided_slice %get3A_3 {offsets = [0, 1664], sizes = [32, 128], strides = [1, 1]} : vector<32x4096xf32> to vector<32x128xf32>
    %max3A_89 = arith.maximumf %max3A_83, %slice3A_88 : vector<32x128xf32>
    %min3A_90 = arith.minimumf %max3A_83, %slice3A_88 : vector<32x128xf32>
    %max3A_91 = arith.maximumf %max3A_85, %min3A_90 : vector<32x128xf32>
    %min3A_92 = arith.minimumf %max3A_85, %min3A_90 : vector<32x128xf32>
    %max3A_93 = arith.maximumf %max3A_87, %min3A_92 : vector<32x128xf32>
    %slice3A_94 = vector.extract_strided_slice %get3A_3 {offsets = [0, 1792], sizes = [32, 128], strides = [1, 1]} : vector<32x4096xf32> to vector<32x128xf32>
    %max3A_95 = arith.maximumf %max3A_89, %slice3A_94 : vector<32x128xf32>
    %min3A_96 = arith.minimumf %max3A_89, %slice3A_94 : vector<32x128xf32>
    %max3A_97 = arith.maximumf %max3A_91, %min3A_96 : vector<32x128xf32>
    %min3A_98 = arith.minimumf %max3A_91, %min3A_96 : vector<32x128xf32>
    %max3A_99 = arith.maximumf %max3A_93, %min3A_98 : vector<32x128xf32>
    %slice3A_100 = vector.extract_strided_slice %get3A_3 {offsets = [0, 1920], sizes = [32, 128], strides = [1, 1]} : vector<32x4096xf32> to vector<32x128xf32>
    %max3A_101 = arith.maximumf %max3A_95, %slice3A_100 : vector<32x128xf32>
    %min3A_102 = arith.minimumf %max3A_95, %slice3A_100 : vector<32x128xf32>
    %max3A_103 = arith.maximumf %max3A_97, %min3A_102 : vector<32x128xf32>
    %min3A_104 = arith.minimumf %max3A_97, %min3A_102 : vector<32x128xf32>
    %max3A_105 = arith.maximumf %max3A_99, %min3A_104 : vector<32x128xf32>
    %slice3A_106 = vector.extract_strided_slice %get3A_3 {offsets = [0, 2048], sizes = [32, 128], strides = [1, 1]} : vector<32x4096xf32> to vector<32x128xf32>
    %max3A_107 = arith.maximumf %max3A_101, %slice3A_106 : vector<32x128xf32>
    %min3A_108 = arith.minimumf %max3A_101, %slice3A_106 : vector<32x128xf32>
    %max3A_109 = arith.maximumf %max3A_103, %min3A_108 : vector<32x128xf32>
    %min3A_110 = arith.minimumf %max3A_103, %min3A_108 : vector<32x128xf32>
    %max3A_111 = arith.maximumf %max3A_105, %min3A_110 : vector<32x128xf32>
    %slice3A_112 = vector.extract_strided_slice %get3A_3 {offsets = [0, 2176], sizes = [32, 128], strides = [1, 1]} : vector<32x4096xf32> to vector<32x128xf32>
    %max3A_113 = arith.maximumf %max3A_107, %slice3A_112 : vector<32x128xf32>
    %min3A_114 = arith.minimumf %max3A_107, %slice3A_112 : vector<32x128xf32>
    %max3A_115 = arith.maximumf %max3A_109, %min3A_114 : vector<32x128xf32>
    %min3A_116 = arith.minimumf %max3A_109, %min3A_114 : vector<32x128xf32>
    %max3A_117 = arith.maximumf %max3A_111, %min3A_116 : vector<32x128xf32>
    %slice3A_118 = vector.extract_strided_slice %get3A_3 {offsets = [0, 2304], sizes = [32, 128], strides = [1, 1]} : vector<32x4096xf32> to vector<32x128xf32>
    %max3A_119 = arith.maximumf %max3A_113, %slice3A_118 : vector<32x128xf32>
    %min3A_120 = arith.minimumf %max3A_113, %slice3A_118 : vector<32x128xf32>
    %max3A_121 = arith.maximumf %max3A_115, %min3A_120 : vector<32x128xf32>
    %min3A_122 = arith.minimumf %max3A_115, %min3A_120 : vector<32x128xf32>
    %max3A_123 = arith.maximumf %max3A_117, %min3A_122 : vector<32x128xf32>
    %slice3A_124 = vector.extract_strided_slice %get3A_3 {offsets = [0, 2432], sizes = [32, 128], strides = [1, 1]} : vector<32x4096xf32> to vector<32x128xf32>
    %max3A_125 = arith.maximumf %max3A_119, %slice3A_124 : vector<32x128xf32>
    %min3A_126 = arith.minimumf %max3A_119, %slice3A_124 : vector<32x128xf32>
    %max3A_127 = arith.maximumf %max3A_121, %min3A_126 : vector<32x128xf32>
    %min3A_128 = arith.minimumf %max3A_121, %min3A_126 : vector<32x128xf32>
    %max3A_129 = arith.maximumf %max3A_123, %min3A_128 : vector<32x128xf32>
    %slice3A_130 = vector.extract_strided_slice %get3A_3 {offsets = [0, 2560], sizes = [32, 128], strides = [1, 1]} : vector<32x4096xf32> to vector<32x128xf32>
    %max3A_131 = arith.maximumf %max3A_125, %slice3A_130 : vector<32x128xf32>
    %min3A_132 = arith.minimumf %max3A_125, %slice3A_130 : vector<32x128xf32>
    %max3A_133 = arith.maximumf %max3A_127, %min3A_132 : vector<32x128xf32>
    %min3A_134 = arith.minimumf %max3A_127, %min3A_132 : vector<32x128xf32>
    %max3A_135 = arith.maximumf %max3A_129, %min3A_134 : vector<32x128xf32>
    %slice3A_136 = vector.extract_strided_slice %get3A_3 {offsets = [0, 2688], sizes = [32, 128], strides = [1, 1]} : vector<32x4096xf32> to vector<32x128xf32>
    %max3A_137 = arith.maximumf %max3A_131, %slice3A_136 : vector<32x128xf32>
    %min3A_138 = arith.minimumf %max3A_131, %slice3A_136 : vector<32x128xf32>
    %max3A_139 = arith.maximumf %max3A_133, %min3A_138 : vector<32x128xf32>
    %min3A_140 = arith.minimumf %max3A_133, %min3A_138 : vector<32x128xf32>
    %max3A_141 = arith.maximumf %max3A_135, %min3A_140 : vector<32x128xf32>
    %slice3A_142 = vector.extract_strided_slice %get3A_3 {offsets = [0, 2816], sizes = [32, 128], strides = [1, 1]} : vector<32x4096xf32> to vector<32x128xf32>
    %max3A_143 = arith.maximumf %max3A_137, %slice3A_142 : vector<32x128xf32>
    %min3A_144 = arith.minimumf %max3A_137, %slice3A_142 : vector<32x128xf32>
    %max3A_145 = arith.maximumf %max3A_139, %min3A_144 : vector<32x128xf32>
    %min3A_146 = arith.minimumf %max3A_139, %min3A_144 : vector<32x128xf32>
    %max3A_147 = arith.maximumf %max3A_141, %min3A_146 : vector<32x128xf32>
    %slice3A_148 = vector.extract_strided_slice %get3A_3 {offsets = [0, 2944], sizes = [32, 128], strides = [1, 1]} : vector<32x4096xf32> to vector<32x128xf32>
    %max3A_149 = arith.maximumf %max3A_143, %slice3A_148 : vector<32x128xf32>
    %min3A_150 = arith.minimumf %max3A_143, %slice3A_148 : vector<32x128xf32>
    %max3A_151 = arith.maximumf %max3A_145, %min3A_150 : vector<32x128xf32>
    %min3A_152 = arith.minimumf %max3A_145, %min3A_150 : vector<32x128xf32>
    %max3A_153 = arith.maximumf %max3A_147, %min3A_152 : vector<32x128xf32>
    %slice3A_154 = vector.extract_strided_slice %get3A_3 {offsets = [0, 3072], sizes = [32, 128], strides = [1, 1]} : vector<32x4096xf32> to vector<32x128xf32>
    %max3A_155 = arith.maximumf %max3A_149, %slice3A_154 : vector<32x128xf32>
    %min3A_156 = arith.minimumf %max3A_149, %slice3A_154 : vector<32x128xf32>
    %max3A_157 = arith.maximumf %max3A_151, %min3A_156 : vector<32x128xf32>
    %min3A_158 = arith.minimumf %max3A_151, %min3A_156 : vector<32x128xf32>
    %max3A_159 = arith.maximumf %max3A_153, %min3A_158 : vector<32x128xf32>
    %slice3A_160 = vector.extract_strided_slice %get3A_3 {offsets = [0, 3200], sizes = [32, 128], strides = [1, 1]} : vector<32x4096xf32> to vector<32x128xf32>
    %max3A_161 = arith.maximumf %max3A_155, %slice3A_160 : vector<32x128xf32>
    %min3A_162 = arith.minimumf %max3A_155, %slice3A_160 : vector<32x128xf32>
    %max3A_163 = arith.maximumf %max3A_157, %min3A_162 : vector<32x128xf32>
    %min3A_164 = arith.minimumf %max3A_157, %min3A_162 : vector<32x128xf32>
    %max3A_165 = arith.maximumf %max3A_159, %min3A_164 : vector<32x128xf32>
    %slice3A_166 = vector.extract_strided_slice %get3A_3 {offsets = [0, 3328], sizes = [32, 128], strides = [1, 1]} : vector<32x4096xf32> to vector<32x128xf32>
    %max3A_167 = arith.maximumf %max3A_161, %slice3A_166 : vector<32x128xf32>
    %min3A_168 = arith.minimumf %max3A_161, %slice3A_166 : vector<32x128xf32>
    %max3A_169 = arith.maximumf %max3A_163, %min3A_168 : vector<32x128xf32>
    %min3A_170 = arith.minimumf %max3A_163, %min3A_168 : vector<32x128xf32>
    %max3A_171 = arith.maximumf %max3A_165, %min3A_170 : vector<32x128xf32>
    %slice3A_172 = vector.extract_strided_slice %get3A_3 {offsets = [0, 3456], sizes = [32, 128], strides = [1, 1]} : vector<32x4096xf32> to vector<32x128xf32>
    %max3A_173 = arith.maximumf %max3A_167, %slice3A_172 : vector<32x128xf32>
    %min3A_174 = arith.minimumf %max3A_167, %slice3A_172 : vector<32x128xf32>
    %max3A_175 = arith.maximumf %max3A_169, %min3A_174 : vector<32x128xf32>
    %min3A_176 = arith.minimumf %max3A_169, %min3A_174 : vector<32x128xf32>
    %max3A_177 = arith.maximumf %max3A_171, %min3A_176 : vector<32x128xf32>
    %slice3A_178 = vector.extract_strided_slice %get3A_3 {offsets = [0, 3584], sizes = [32, 128], strides = [1, 1]} : vector<32x4096xf32> to vector<32x128xf32>
    %max3A_179 = arith.maximumf %max3A_173, %slice3A_178 : vector<32x128xf32>
    %min3A_180 = arith.minimumf %max3A_173, %slice3A_178 : vector<32x128xf32>
    %max3A_181 = arith.maximumf %max3A_175, %min3A_180 : vector<32x128xf32>
    %min3A_182 = arith.minimumf %max3A_175, %min3A_180 : vector<32x128xf32>
    %max3A_183 = arith.maximumf %max3A_177, %min3A_182 : vector<32x128xf32>
    %slice3A_184 = vector.extract_strided_slice %get3A_3 {offsets = [0, 3712], sizes = [32, 128], strides = [1, 1]} : vector<32x4096xf32> to vector<32x128xf32>
    %max3A_185 = arith.maximumf %max3A_179, %slice3A_184 : vector<32x128xf32>
    %min3A_186 = arith.minimumf %max3A_179, %slice3A_184 : vector<32x128xf32>
    %max3A_187 = arith.maximumf %max3A_181, %min3A_186 : vector<32x128xf32>
    %min3A_188 = arith.minimumf %max3A_181, %min3A_186 : vector<32x128xf32>
    %max3A_189 = arith.maximumf %max3A_183, %min3A_188 : vector<32x128xf32>
    %slice3A_190 = vector.extract_strided_slice %get3A_3 {offsets = [0, 3840], sizes = [32, 128], strides = [1, 1]} : vector<32x4096xf32> to vector<32x128xf32>
    %max3A_191 = arith.maximumf %max3A_185, %slice3A_190 : vector<32x128xf32>
    %min3A_192 = arith.minimumf %max3A_185, %slice3A_190 : vector<32x128xf32>
    %max3A_193 = arith.maximumf %max3A_187, %min3A_192 : vector<32x128xf32>
    %min3A_194 = arith.minimumf %max3A_187, %min3A_192 : vector<32x128xf32>
    %max3A_195 = arith.maximumf %max3A_189, %min3A_194 : vector<32x128xf32>
    %slice3A_196 = vector.extract_strided_slice %get3A_3 {offsets = [0, 3968], sizes = [32, 128], strides = [1, 1]} : vector<32x4096xf32> to vector<32x128xf32>
    %max3A_197 = arith.maximumf %max3A_191, %slice3A_196 : vector<32x128xf32>
    %min3A_198 = arith.minimumf %max3A_191, %slice3A_196 : vector<32x128xf32>
    %max3A_199 = arith.maximumf %max3A_193, %min3A_198 : vector<32x128xf32>
    %min3A_200 = arith.minimumf %max3A_193, %min3A_198 : vector<32x128xf32>
    %max3A_201 = arith.maximumf %max3A_195, %min3A_200 : vector<32x128xf32>
    %swap3A = arith.constant 0 : index
    %swap3A_202 = arith.constant 0 : index
    %swap3A_203 = vector.load %arg4[%swap3A, %swap3A_202] : memref<32x128xf32, #tpu.memory_space<vmem>>, vector<32x128xf32>
    tpu.vector_store %arg4[%swap3A, %swap3A_202], %max3A_197 {strides = array<i32>} : memref<32x128xf32, #tpu.memory_space<vmem>>, vector<32x128xf32>,
    %swap3A_204 = arith.constant 0 : index
    %swap3A_205 = arith.constant 0 : index
    %swap3A_206 = vector.load %arg5[%swap3A_204, %swap3A_205] : memref<32x128xf32, #tpu.memory_space<vmem>>, vector<32x128xf32>
    tpu.vector_store %arg5[%swap3A_204, %swap3A_205], %max3A_199 {strides = array<i32>} : memref<32x128xf32, #tpu.memory_space<vmem>>, vector<32x128xf32>,
    %swap3A_207 = arith.constant 0 : index
    %swap3A_208 = arith.constant 0 : index
    %swap3A_209 = vector.load %arg6[%swap3A_207, %swap3A_208] : memref<32x128xf32, #tpu.memory_space<vmem>>, vector<32x128xf32>
    tpu.vector_store %arg6[%swap3A_207, %swap3A_208], %max3A_201 {strides = array<i32>} : memref<32x128xf32, #tpu.memory_space<vmem>>, vector<32x128xf32>,
    %eq3A_210 = arith.constant 7 : i32
    %eq3A_211 = arith.cmpi eq, %arg0, %eq3A_210 : i32
    %convert_element_type3A_212 = arith.extui %eq3A_211 : i1 to i32
    %cond3A_213 = arith.constant 0 : i32
    %cond3A_214 = arith.cmpi ne, %convert_element_type3A_212, %cond3A_213 : i32
    scf.if %cond3A_214 {
      %iota3A = tpu.iota {dimensions = array<i32: 1>} : vector<32x128xi32>
      %reduce_max3A = arith.constant dense<0xFF800000> : vector<32xf32>
      %reduce_max3A_215 = vector.multi_reduction <maximumf>, %max3A_197, %reduce_max3A [1] : vector<32x128xf32> to vector<32xf32>
      %broadcast_in_dim3A = vector.shape_cast %reduce_max3A_215 : vector<32xf32> to vector<32x1xf32>
      %eq3A_216 = vector.broadcast %broadcast_in_dim3A : vector<32x1xf32> to vector<32x128xf32>
      %eq3A_217 = arith.cmpf oeq, %max3A_197, %eq3A_216 : vector<32x128xf32>
      %jit3A = arith.constant 1073741824 : i32
      %broadcast_in_dim3A_218 = vector.broadcast %jit3A : i32 to vector<32x128xi32>
      %select_n3A = arith.select %eq3A_217, %iota3A, %broadcast_in_dim3A_218 : vector<32x128xi1>, vector<32x128xi32>
      %reduce_min3A = arith.constant dense<2147483647> : vector<32xi32>
      %reduce_min3A_219 = vector.multi_reduction <minsi>, %select_n3A, %reduce_min3A [1] : vector<32x128xi32> to vector<32xi32>
      %broadcast_in_dim3A_220 = vector.shape_cast %reduce_min3A_219 : vector<32xi32> to vector<32x1xi32>
      %eq3A_221 = vector.broadcast %broadcast_in_dim3A_220 : vector<32x1xi32> to vector<32x128xi32>
      %eq3A_222 = arith.cmpi eq, %iota3A, %eq3A_221 : vector<32x128xi32>
      %select_n3A_223 = arith.select %eq3A_222, %max3A_199, %max3A_197 : vector<32x128xi1>, vector<32x128xf32>
      %select_n3A_224 = arith.select %eq3A_222, %max3A_201, %max3A_199 : vector<32x128xi1>, vector<32x128xf32>
      %reduce_max3A_225 = arith.constant dense<0xFF800000> : vector<32xf32>
      %reduce_max3A_226 = vector.multi_reduction <maximumf>, %select_n3A_223, %reduce_max3A_225 [1] : vector<32x128xf32> to vector<32xf32>
      %broadcast_in_dim3A_227 = vector.shape_cast %reduce_max3A_226 : vector<32xf32> to vector<32x1xf32>
      %eq3A_228 = vector.broadcast %broadcast_in_dim3A_227 : vector<32x1xf32> to vector<32x128xf32>
      %eq3A_229 = arith.cmpf oeq, %select_n3A_223, %eq3A_228 : vector<32x128xf32>
      %jit3A_230 = arith.constant 1073741824 : i32
      %broadcast_in_dim3A_231 = vector.broadcast %jit3A_230 : i32 to vector<32x128xi32>
      %select_n3A_232 = arith.select %eq3A_229, %iota3A, %broadcast_in_dim3A_231 : vector<32x128xi1>, vector<32x128xi32>
      %reduce_min3A_233 = arith.constant dense<2147483647> : vector<32xi32>
      %reduce_min3A_234 = vector.multi_reduction <minsi>, %select_n3A_232, %reduce_min3A_233 [1] : vector<32x128xi32> to vector<32xi32>
      %broadcast_in_dim3A_235 = vector.shape_cast %reduce_min3A_234 : vector<32xi32> to vector<32x1xi32>
      %eq3A_236 = vector.broadcast %broadcast_in_dim3A_235 : vector<32x1xi32> to vector<32x128xi32>
      %eq3A_237 = arith.cmpi eq, %iota3A, %eq3A_236 : vector<32x128xi32>
      %select_n3A_238 = arith.select %eq3A_237, %select_n3A_224, %select_n3A_223 : vector<32x128xi1>, vector<32x128xf32>
      %reduce_max3A_239 = arith.constant dense<0xFF800000> : vector<32xf32>
      %reduce_max3A_240 = vector.multi_reduction <maximumf>, %select_n3A_238, %reduce_max3A_239 [1] : vector<32x128xf32> to vector<32xf32>
      %broadcast_in_dim3A_241 = vector.shape_cast %reduce_max3A_240 : vector<32xf32> to vector<32x1xf32>
      %get3A_242 = arith.constant 0 : index
      %get3A_243 = memref.load %arg2[%get3A_242] : memref<3xf32, #tpu.memory_space<smem>>
      %get3A_244 = arith.constant 1 : index
      %get3A_245 = memref.load %arg2[%get3A_244] : memref<3xf32, #tpu.memory_space<smem>>
      %get3A_246 = arith.constant 2 : index
      %get3A_247 = memref.load %arg2[%get3A_246] : memref<3xf32, #tpu.memory_space<smem>>
      %eq3A_248 = arith.constant 0 : i32
      %eq3A_249 = vector.broadcast %eq3A_248 : i32 to vector<32x128xi32>
      %eq3A_250 = arith.cmpi eq, %iota3A, %eq3A_249 : vector<32x128xi32>
      %mul3A = arith.constant 2.000000e+00 : f32
      %mul3A_251 = vector.broadcast %mul3A : f32 to vector<32x1xf32>
      %mul3A_252 = arith.mulf %broadcast_in_dim3A, %mul3A_251 : vector<32x1xf32>
      %add3A = vector.broadcast %get3A_243 : f32 to vector<32x1xf32>
      %add3A_253 = arith.addf %mul3A_252, %add3A : vector<32x1xf32>
      %eq3A_254 = arith.constant 1 : i32
      %eq3A_255 = vector.broadcast %eq3A_254 : i32 to vector<32x128xi32>
      %eq3A_256 = arith.cmpi eq, %iota3A, %eq3A_255 : vector<32x128xi32>
      %mul3A_257 = arith.constant 2.000000e+00 : f32
      %mul3A_258 = vector.broadcast %mul3A_257 : f32 to vector<32x1xf32>
      %mul3A_259 = arith.mulf %broadcast_in_dim3A_227, %mul3A_258 : vector<32x1xf32>
      %add3A_260 = vector.broadcast %get3A_245 : f32 to vector<32x1xf32>
      %add3A_261 = arith.addf %mul3A_259, %add3A_260 : vector<32x1xf32>
      %eq3A_262 = arith.constant 2 : i32
      %eq3A_263 = vector.broadcast %eq3A_262 : i32 to vector<32x128xi32>
      %eq3A_264 = arith.cmpi eq, %iota3A, %eq3A_263 : vector<32x128xi32>
      %mul3A_265 = arith.constant 2.000000e+00 : f32
      %mul3A_266 = vector.broadcast %mul3A_265 : f32 to vector<32x1xf32>
      %mul3A_267 = arith.mulf %broadcast_in_dim3A_241, %mul3A_266 : vector<32x1xf32>
      %add3A_268 = vector.broadcast %get3A_247 : f32 to vector<32x1xf32>
      %add3A_269 = arith.addf %mul3A_267, %add3A_268 : vector<32x1xf32>
      %jit3A_270 = arith.constant 0.000000e+00 : f32
      %broadcast_in_dim3A_271 = vector.shape_cast %add3A_269 : vector<32x1xf32> to vector<32x1xf32>
      %broadcast_in_dim3A_272 = vector.broadcast %broadcast_in_dim3A_271 : vector<32x1xf32> to vector<32x128xf32>
      %broadcast_in_dim3A_273 = vector.broadcast %jit3A_270 : f32 to vector<32x128xf32>
      %select_n3A_274 = arith.select %eq3A_264, %broadcast_in_dim3A_272, %broadcast_in_dim3A_273 : vector<32x128xi1>, vector<32x128xf32>
      %broadcast_in_dim3A_275 = vector.shape_cast %add3A_261 : vector<32x1xf32> to vector<32x1xf32>
      %broadcast_in_dim3A_276 = vector.broadcast %broadcast_in_dim3A_275 : vector<32x1xf32> to vector<32x128xf32>
      %select_n3A_277 = arith.select %eq3A_256, %broadcast_in_dim3A_276, %select_n3A_274 : vector<32x128xi1>, vector<32x128xf32>
      %broadcast_in_dim3A_278 = vector.shape_cast %add3A_253 : vector<32x1xf32> to vector<32x1xf32>
      %broadcast_in_dim3A_279 = vector.broadcast %broadcast_in_dim3A_278 : vector<32x1xf32> to vector<32x128xf32>
      %select_n3A_280 = arith.select %eq3A_250, %broadcast_in_dim3A_279, %select_n3A_277 : vector<32x128xi1>, vector<32x128xf32>
      %swap3A_281 = arith.constant 0 : index
      %swap3A_282 = arith.constant 0 : index
      %swap3A_283 = vector.load %arg3[%swap3A_281, %swap3A_282] : memref<32x128xf32, #tpu.memory_space<vmem>>, vector<32x128xf32>
      tpu.vector_store %arg3[%swap3A_281, %swap3A_282], %select_n3A_280 {strides = array<i32>} : memref<32x128xf32, #tpu.memory_space<vmem>>, vector<32x128xf32>,
    } else {
    }
    return
  }
  func.func @transform_0(%arg0: i32) -> (i32, i32) {
    %c1_i32 = arith.constant 1 : i32
    %c0_i32 = arith.constant 0 : i32
    return %c1_i32, %arg0 : i32, i32
  }
  func.func @transform_1(%arg0: i32) -> i32 {
    %c0_i32 = arith.constant 0 : i32
    %c0_i32_0 = arith.constant 0 : i32
    return %c0_i32 : i32
  }
  func.func @transform_2(%arg0: i32) -> (i32, i32) {
    %c0_i32 = arith.constant 0 : i32
    %c0_i32_0 = arith.constant 0 : i32
    %c0_i32_1 = arith.constant 0 : i32
    return %c0_i32, %c0_i32_0 : i32, i32
  }
}

</mosaic_0001>

<sc_bundles>
// kernel: kernel.4.cloned.1.call-start
scs
__scs_entry_jumppad:
0x0: {  	(pc) =	sbr.rel $0x88, $3  }
0x1: {  	(tag) =	ssettag $0x0;
	lr =	simm.s32 $0x1  }
0x2: {  	[smem:$0x3F9F] =	sst lr;
	_ =	strace $0xD0000000  }
0x3: {  	_ = 	snop  }
0x4: {  	_ = 	snop  }
0x5: {  	_ = 	snop  }
0x6: {  	_ = 	snop  }
0x7: {  	_ = 	snop  }
__scs_overlays_trampoline_lowered:
0x8: {  	[smem:$0x3FAE] =	sst s0  }
0x9: {  	[smem:$0x3FAF] =	sst s1  }
0xa: {  	[smem:$0x3FB0] =	sst s2  }
0xb: {  	[smem:$0x3FB1] =	sst s3  }
0xc: {  	[smem:$0x3FB2] =	sst s4  }
0xd: {  	[smem:$0x3FB3] =	sst s5  }
0xe: {  	[smem:$0x3FB4] =	sst s6  }
0xf: {  	[smem:$0x3FB5] =	sst s7  }
0x10: {  	[smem:$0x3FB6] =	sst s8  }
0x11: {  	[smem:$0x3FB7] =	sst s9;
	s0 =	simm.s32 @!p0 $0x0  }
0x12: {  	s1 =	sld [smem:$0x3F9D];
	s0 =	simm.s32 @p0 $0x1  }
0x13: {  	[smem:$0x3FB8] =	sst s0;
	s0 =	simm.s32 @!p1 $0x0  }
0x14: {  	s2 =	sld [smem:$0x3F9C];
	s0 =	simm.s32 @p1 $0x1  }
0x15: {  	[smem:$0x3FB9] =	sst s0;
	s0 =	simm.s32 @!p2 $0x0  }
0x16: {  	s3 =	sld [smem:$0x3FDB];
	s0 =	simm.s32 @p2 $0x1  }
0x17: {  	s4 =	simm.s32 $0x1BF5;
	[smem:$0x3FBB] =	sst s0  }
0x18: {  	s0 =	sld [smem:$0x3F9E];
	_ =	swait.ge [sflag:s4], $0x0  }
0x19: {  	s7 =	sld [smem:$0x3F9F]  }
0x1a: {  	s8 =	sadd.s32 $0xFFFFE003, lr  }
0x1b: {  	s9 =	sadd.s32 $0xFFFFFEF7, lr;
	s5 =	simm.s32 $0xFFFFFFFF;
	p2 =	slt.u32 s8, $0xFFFFF086  }
0x1c: {  	p1 =	slt.u32 s9, $0xF7A;
	s5 =	simm.s32 @!p2 $0x0  }
0x1d: {  	s5 =	simm.s32 @p1 $0x1;
	p0 =	seq.s32 s7, s2  }
0x1e: {  	s7 =	smul.u32 @!p0 $0xF7A, s2;
	p2 =	seq.s32 @!p0 s5, $0x0  }
0x1f: {  	s9 =	smul.u32 $0xF7A, s1;
	s8 =	simm.s32 @!p0 $0x1BF5;
	p2 =	por !p2, p0  }
0x20: {  	[sflag:s8] =	ssyncset.s32 @!p0 $0xFFFFF086;
	s6 =	sadd.s32 @!p0 s3, s7;
	s7 =	simm.s32 @!p0 $0x108  }
0x21: {  	s3 =	sadd.s32 s3, s9;
	s6 =	sadd.s32 @!p0 $0x88, s6;
	s7 =	simm.s32 @p2 $0x1082  }
0x22: {  	[simem:s7], [sflag:s8] =	dma.local @!p0 [hbm:s6], $0xF7A  }
0x23: {  	s9 =	sor.u32 $0xD0000000, s2;
	s6 =	simm.s32 $0x108;
	_ =	swait.ge @!p0 [sflag:s8], $0x0  }
0x24: {  	s3 =	sadd.s32 $0x88, s3;
	s6 =	simm.s32 @!p1 $0x1082;
	[sflag:s4] =	ssyncset.s32 $0xFFFFF086  }
0x25: {  	[simem:s6], [sflag:s4] =	dma.local [hbm:s3], $0xF7A  }
0x26: {  	[smem:$0x3F9F] =	sst s1;
	(tag) =	ssettag s2;
	_ =	strace s9  }
0x27: {  	s1 =	sld [smem:$0x3FAF]  }
0x28: {  	s2 =	sld [smem:$0x3FB0]  }
0x29: {  	s4 =	sld [smem:$0x3FB2]  }
0x2a: {  	p0 =	seq.s32 s5, $0x0;
	s5 =	sld [smem:$0x3FB3]  }
0x2b: {  	s6 =	sld [smem:$0x3FB4]  }
0x2c: {  	s7 =	sld [smem:$0x3FB5]  }
0x2d: {  	s3 =	simm.s32 $0x108;
	s8 =	sld [smem:$0x3FB6]  }
0x2e: {  	s3 =	simm.s32 @!p0 $0x1082;
	s9 =	sld [smem:$0x3FB7]  }
0x2f: {  	lr =	sadd.s32 s0, s3;
	s0 =	sld [smem:$0x3FAE]  }
0x30: {  	s3 =	sld [smem:$0x3FB1]  }
0x31: {  	[smem:$0x3FBA] =	sst s10  }
0x32: {  	s10 =	sld [smem:$0x3FB8];
	_ =	sdelay $0x3  }
0x33: {  	p0 =	seq.s32 s10, $0x1;
	s10 =	sld [smem:$0x3FBA];
	_ =	sdelay $0x3  }
0x34: {  	[smem:$0x3FBA] =	sst s10  }
0x35: {  	s10 =	sld [smem:$0x3FB9];
	_ =	sdelay $0x3  }
0x36: {  	p1 =	seq.s32 s10, $0x1;
	s10 =	sld [smem:$0x3FBA];
	_ =	sdelay $0x3  }
0x37: {  	[smem:$0x3FBA] =	sst s10  }
0x38: {  	s10 =	sld [smem:$0x3FBB]  }
0x39: {  	_ = 	snop;
	(pc) =	sbr.ind lr, $3  }
0x3a: {  	_ = 	snop  }
0x3b: {  	_ = 	snop  }
0x3c: {  	p2 =	seq.s32 s10, $0x1;
	s10 =	sld [smem:$0x3FBA]  }
0x3d: {  	_ =	shalt  }
0x3e: {  	_ =	shalt  }
0x3f: {  	_ =	shalt  }
0x40: {  	_ =	shalt  }
0x41: {  	_ =	shalt  }
0x42: {  	_ =	shalt  }
0x43: {  	_ =	shalt  }
0x44: {  	_ =	shalt  }
0x45: {  	_ =	shalt  }
0x46: {  	_ =	shalt  }
0x47: {  	_ =	shalt  }
0x48: {  	_ =	shalt  }
0x49: {  	_ =	shalt  }
0x4a: {  	_ =	shalt  }
0x4b: {  	_ =	shalt  }
0x4c: {  	_ =	shalt  }
0x4d: {  	_ =	shalt  }
0x4e: {  	_ =	shalt  }
0x4f: {  	_ =	shalt  }
0x50: {  	_ =	shalt  }
0x51: {  	_ =	shalt  }
0x52: {  	_ =	shalt  }
0x53: {  	_ =	shalt  }
0x54: {  	_ =	shalt  }
0x55: {  	_ =	shalt  }
0x56: {  	_ =	shalt  }
0x57: {  	_ =	shalt  }
0x58: {  	_ =	shalt  }
0x59: {  	_ =	shalt  }
0x5a: {  	_ =	shalt  }
0x5b: {  	_ =	shalt  }
0x5c: {  	_ =	shalt  }
0x5d: {  	_ =	shalt  }
0x5e: {  	_ =	shalt  }
0x5f: {  	_ =	shalt  }
0x60: {  	_ =	shalt  }
0x61: {  	_ =	shalt  }
0x62: {  	_ =	shalt  }
0x63: {  	_ =	shalt  }
0x64: {  	_ =	shalt  }
0x65: {  	_ =	shalt  }
0x66: {  	_ =	shalt  }
0x67: {  	_ =	shalt  }
0x68: {  	_ =	shalt  }
0x69: {  	_ =	shalt  }
0x6a: {  	_ =	shalt  }
0x6b: {  	_ =	shalt  }
0x6c: {  	_ =	shalt  }
0x6d: {  	_ =	shalt  }
0x6e: {  	_ =	shalt  }
0x6f: {  	_ =	shalt  }
0x70: {  	_ =	shalt  }
0x71: {  	_ =	shalt  }
0x72: {  	_ =	shalt  }
0x73: {  	_ =	shalt  }
0x74: {  	_ =	shalt  }
0x75: {  	_ =	shalt  }
0x76: {  	_ =	shalt  }
0x77: {  	_ =	shalt  }
0x78: {  	_ =	shalt  }
0x79: {  	_ =	shalt  }
0x7a: {  	_ =	shalt  }
0x7b: {  	_ =	shalt  }
0x7c: {  	_ =	shalt  }
0x7d: {  	_ =	shalt  }
0x7e: {  	_ =	shalt  }
0x7f: {  	_ =	shalt  }
0x80: {  	_ =	shalt  }
0x81: {  	_ =	shalt  }
0x82: {  	_ =	shalt  }
0x83: {  	_ =	shalt  }
0x84: {  	_ =	shalt  }
0x85: {  	_ =	shalt  }
0x86: {  	_ =	shalt  }
0x87: {  	_ =	shalt  }
.Lfunc_end0:
.L_simem_size_0:
called_computation_lowered:
.L_overlay_start_0:
0x88: {  	s2 =	sld [smem:$0x3FD9]  }
0x89: {  	s3 =	sld [smem:$0x3FFE];
	_ =	sdelay $0x1  }
0x8a: {  	s1 =	srdreg.scid  }
0x8b: {  	s0 =	sand.u32 $0x1, s1  }
0x8c: {  	s18 =	sshll.u32 s0, $0xA;
	s2 =	sadd.s32 s3, s2  }
0x8d: {  	s2 =	sadd.s32 s2, s18  }
0x8e: {  	[smem:$0x3FC6] =	sst s2  }
0x8f: {  	_ = 	snop  }
0x90: {  	s2 =	sld [smem:$0x3FC9]  }
0x91: {  	s19 =	sld [smem:$0x3FC8]  }
0x92: {  	s4 =	sld [smem:$0x3FD0];
	(tm) =	ssettm $0x1  }
0x93: {  	s5 =	sld [smem:$0x3FFB];
	_ =	sdelay $0x3  }
0x94: {  	_ =	strace s5  }
0x95: {  	s5 =	sld [smem:$0x3FFC];
	_ =	sdelay $0x3  }
0x96: {  	_ =	strace s5  }
0x97: {  	s5 =	sld [smem:$0x3FFD];
	_ =	sdelay $0x3  }
0x98: {  	_ =	strace s5  }
0x99: {  	_ =	strace $0x8FFFFFFF  }
0x9a: {  	s20 =	sld [smem:$0x3FDB];
	_ =	sdelay $0x1  }
0x9b: {  	s6 =	simm.s32 $_scs_section_size  }
0x9c: {  	s7 =	simm.s32 $_size__tile_overlayer_lowered;
	s8 =	simm.s32 $_tile_overlayer_lowered  }
0x9d: {  	s23 =	simm.s32 $0x1BFF;
	s22 =	sshll.u32 s8, $0x1;
	s5 =	sadd.s32 s6, s20  }
0x9e: {  	s9 =	simm.s32 $0x0;
	s21 =	sshll.u32 s7, $0x1;
	s7 =	sadd.s32 s22, s5  }
0x9f: {  	[timem:s9], [sflag:s23] =	dma.local [hbm:s7], s21  }
0xa0: {  	_ =	swait.ge [sflag:s23], s21  }
0xa1: {  	s6 =	ssub.s32 $0x0, s21;
	[sflag:s23] =	ssyncset.done $0x0  }
0xa2: {  	[sflag:s23] =	ssyncadd.s32 s6;
	_ =	sdelay $0x1  }
0xa3: {  	s24 =	simm.s32 $0x1B8B  }
0xa4: {  	_ =	swait.ge [sflag:s24], $0x1  }
0xa5: {  	[sflag:s24] =	ssyncset.done $0x0  }
0xa6: {  	s25 =	simm.s32 $0x1B8E;
	[sflag:s24] =	ssyncadd.s32 $0xFFFFFFFF  }
0xa7: {  	s26 =	simm.s32 $execute0_lowered;
	[smem:$0x3FD2] =	sst s25  }
0xa8: {  	s6 =	sshll.u32 s26, $0x1;
	_ =	strace $0x80000046;
	[dreg:$0x1] =	wrdreg $0xFFFFFFFF  }
0xa9: {  	s28 =	simm.s32 $_size_execute0_lowered;
	s5 =	sadd.s32 s5, s6;
	[dreg:$0x0] =	wrdreg $0x0  }
0xaa: {  	s6 =	sshll.u32 s28, $0x1;
	[dreg:$0x2] =	wrdreg s5  }
0xab: {  	[dreg:$0x3] =	wrdreg s6  }
0xac: {  	[dreg:$0x4] =	wrdreg $0xC0  }
0xad: {  	_ =	task [dreg:s9], $0x5FFFF  }
0xae: {  	[dreg:$0x1] =	wrdreg $0xFFFFFFFF  }
0xaf: {  	[dreg:$0x0] =	wrdreg $0x60  }
0xb0: {  	[dreg:$0x2] =	wrdreg s2  }
0xb1: {  	[dreg:$0x3] =	wrdreg s19  }
0xb2: {  	[dreg:$0x4] =	wrdreg s4  }
0xb3: {  	[dreg:$0x5] =	wrdreg $0x9  }
0xb4: {  	_ =	task.clear_ibuf [dreg:s9], $0x6FFFF;
	_ =	strace $0x90000046  }
0xb5: {  	s29 =	simm.s32 $0x9;
	_ =	strace $0x80000048  }
0xb6: {  	_ =	swait.ge [sflag:s29], $0x1  }
0xb7: {  	[sflag:s29] =	ssyncadd.s32 $0xFFFFFFFF  }
0xb8: {  	_ =	strace $0x90000048  }
0xb9: {  	_ =	sfence  }
0xba: {  	s30 =	sld [smem:$0x0];
	_ =	sdelay $0x2  }
0xbb: {  	s31 =	sshll.u32 s1, $0xD;
	s1 =	sshrl.u32 s1, $0x2  }
0xbc: {  	s3 =	sand.u32 $0x4000, s31;
	s1 =	sadd.s32 s1, s30  }
0xbd: {  	s0 =	sor.u32 s3, s0;
	s1 =	sshll.u32 s1, $0x11  }
0xbe: {  	s0 =	sor.u32 s1, s0  }
0xbf: {  	s0 =	sadd.s32 $0x8F2B, s0  }
0xc0: {  	[sflag:s0] =	ssyncadd.remote.s32 $0x1  }
0xc1: {  	_ =	sfence.sel $0xFFFF  }
0xc2: {  	[dreg:$0x0] =	wrdreg $0xFFFFFFFF;
	(pc) =	sbr.abs _section_cstart, $3  }
0xc3: {  	[dreg:$0x1] =	wrdreg $0xFFFFFFFF  }
0xc4: {  	_ =	task.clear_ibuf [dreg:s9], $0x2FFFF;
	_ =	strace $0x9FFFFFFF  }
0xc5: {  	(tm) =	ssettm $0x7FFFFFFF  }
tec
execute0_lowered:
.L_overlay_start_1:
0x0: {  	(tag) =	ssettag $0x1  }
0x1: {  	s11 =	rddreg [dreg:$0x0]  }
0x2: {  	s2 =	rddreg [dreg:$0x1];
	s1 =	srdreg.scid  }
0x3: {  	s0 =	stileid.u32;
	s12 =	rddreg [dreg:$0x2]  }
0x4: {  	s16 =	simm.s32 $0x1000;
	s17 =	simm.s32 $0x2000;
	s18 =	simm.s32 $0x3000  }
0x5: {  	s19 =	simm.s32 $0x4000;
	s20 =	simm.s32 $0x5;
	s21 =	simm.s32 $0x4080  }
0x6: {  	s22 =	simm.s32 $0x0;
	s4 =	sand.u32 $0x1, s1;
	s3 =	sshll.u32 s0, $0x1  }
0x7: {  	s1 =	rddreg [dreg:$0x3];
	s5 =	sshll.u32 s0, $0x10;
	s13 =	sor.u32 s4, s3  }
0x8: {  	s3 =	simm.s32 $0x0;
	s4 =	ssub.s32 $0x2, s4;
	s6 =	sshll.u32 s13, $0x7  }
0x9: {  	[smem:$0x7FF] =	sst s3;
	s8 =	sshrl.u32 s4, $0x1;
	s12 =	sadd.s32 s12, s13  }
0xa: {  	s7 =	sor.u32 s5, s6;
	_ =	strace $0x80000047;
	s6 =	sand.u32 $0x380, s6  }
0xb: {  	s14 =	ssub.s32 s4, s8;
	s7 =	sand.u32 $0xC0380, s7;
	s31 =	sor.u32 s5, s6  }
0xc: {  	s13 =	smax.u32 s14, $0x1;
	s7 =	sshrl.u32 s7, $0x3;
	s15 =	sshrl.u32 s31, $0x3  }
0xd: {  	s14 =	simm.s32 $0x80;
	s4 =	sadd.s32 s11, s7;
	s10 =	sor.u32 $0x6000, s15  }
0xe: {  	s15 =	sor.u32 $0x7000, s15;
	s5 =	sadd.s32 $0x1000, s4;
	s6 =	sadd.s32 $0x2000, s4  }
0xf: {  	s7 =	sadd.s32 $0x3000, s4;
	s8 =	sadd.s32 $0x4000, s4;
	s9 =	sadd.s32 $0x5000, s4  }
0x10: {  	v0 =	vimm.s32 $0x0;
	v1 =	vlaneseq.u32;
	s10 =	sadd.s32 s11, s10;
	s11 =	sadd.s32 s11, s15;
	s15 =	simm.s32 $0x400  }
.LBB2_1:
0x11: {  	[tilespmem:s3], [sflag:$0x1] =	stream.strided.gather [hbm4b:s4+s14], $0x1000, s15, s14, $0x38;
	[tilespmem:$0x4100] =	vst v63  }
0x12: {  	_ = 	snop  }
0x13: {  	[tilespmem:s16], [sflag:$0x2] =	stream.strided.gather [hbm4b:s5+s14], $0x1000, s15, s14, $0x38;
	[tilespmem:$0x4100] =	vst v63  }
0x14: {  	_ = 	snop  }
0x15: {  	[tilespmem:s17], [sflag:$0x3] =	stream.strided.gather [hbm4b:s6+s14], $0x1000, s15, s14, $0x38;
	[tilespmem:$0x4100] =	vst v63  }
0x16: {  	_ = 	snop  }
0x17: {  	[tilespmem:s18], [sflag:$0x4] =	stream.strided.gather [hbm4b:s7+s14], $0x1000, s15, s14, $0x38;
	[tilespmem:$0x4100] =	vst v63  }
0x18: {  	_ = 	snop  }
0x19: {  	[tilespmem:s19], [sflag:$0x5] =	stream.linear.gather [hbm4b:s2+s3], $0x3, $0x38;
	[tilespmem:$0x4100] =	vst v63  }
0x1a: {  	_ =	swait.ge [sflag:s20], $0x3  }
0x1b: {  	[sflag:s20] =	ssyncset.done $0x0  }
0x1c: {  	v6 =	vimm.f32 $-Inf;
	v8 =	vimm.f32 $-Inf;
	v3 =	vimm.f32 $-Inf;
	[sflag:s20] =	ssyncadd.s32 $0xFFFFFFFD  }
0x1d: {  	s23 =	simm.s32 $0x0;
	v5 =	vimm.f32 $-Inf;
	v7 =	vimm.f32 $-Inf;
	v4 =	vimm.f32 $-Inf;
	s24 =	simm.s32 $0x0;
	v2 =	vld [tilespmem:$0x4000]  }
.LBB2_2:
0x1e: {  	s25 =	sand.u32 $0x3, s24  }
0x1f: {  	p0 =	sgt.s32 s25, $0x1  }
.Ltmp0:
0x20: {  	_ = 	snop;
	(pc) =	sbr.rel @p0 .LBB2_4-.Ltmp0, $1  }
0x21: {  	_ =	sdelay $0x3  }
.Ltmp1:
0x22: {  	(pc) =	sbr.rel .LBB2_7-.Ltmp1, $4  }
0x23: {  	p3 =	seq.s32 s25, $0x0;
	p0 =	por $0x0, $0x0  }
0x24: {  	p2 =	por $0x0, $0x0;
	p1 =	por $0x0, $0x0;
	s26 =	simm.s32 @!p3 $0x2  }
0x25: {  	p4 =	por @!p3 $0x1, $0x1;
	p5 =	por @!p3 $0x0, $0x0;
	s26 =	simm.s32 @p3 $0x1  }
0x26: {  	p0 =	por @!p3 p5, p5;
	p2 =	por @!p3 p4, p4;
	p1 =	por @!p3 p5, p5  }
.LBB2_4:
0x27: {  	p0 =	seq.s32 s25, $0x3  }
.Ltmp2:
0x28: {  	_ = 	snop;
	(pc) =	sbr.rel @!p0 .LBB2_5-.Ltmp2, $1  }
0x29: {  	_ =	sdelay $0x3  }
.Ltmp3:
0x2a: {  	(pc) =	sbr.rel .LBB2_7-.Ltmp3, $3  }
0x2b: {  	_ =	sdelay $0x1  }
0x2c: {  	p2 =	por $0x0, $0x0  }
0x2d: {  	p0 =	por $0x1, $0x1;
	s26 =	simm.s32 $0x4;
	p1 =	por $0x0, $0x0  }
.LBB2_5:
0x2e: {  	p1 =	por $0x1, $0x1  }
0x2f: {  	p0 =	por $0x0, $0x0;
	s26 =	simm.s32 $0x3;
	p2 =	por $0x0, $0x0  }
.LBB2_7:
0x30: {  	s28 =	sand.u32 $0x3, s23;
	_ =	swait.ge [sflag:s26], $0x1000  }
0x31: {  	s28 =	sshll.u32 s28, $0xC;
	[sflag:s26] =	ssyncset.done $0x0  }
0x32: {  	s28 =	sor.u32 $0x80, s28;
	[sflag:s26] =	ssyncadd.s32 $0xFFFFF000  }
0x33: {  	v9 =	vld [tilespmem:s28+$0xFFFFFF90]  }
0x34: {  	v11 =	vld [tilespmem:s28+$0xFFFFFF80]  }
0x35: {  	v10 =	vld [tilespmem:s28+$0xFFFFFFB0]  }
0x36: {  	v12 =	vld [tilespmem:s28+$0xFFFFFFA0];
	_ =	sdelay $0x1  }
0x37: {  	v13 =	vld [tilespmem:s28+$0xFFFFFFD0]  }
0x38: {  	v15 =	vld [tilespmem:s28+$0xFFFFFFF0];
	v14 =	vmax.f32 v3, v9;
	v3 =	vmin.f32 v3, v9;
	v16 =	vmax.f32 v4, v11  }
0x39: {  	v19 =	vld [tilespmem:s28+$0x10];
	v4 =	vmin.f32 v4, v11;
	v9 =	vmin.f32 v14, v10;
	v17 =	vmax.f32 v8, v3  }
0x3a: {  	v3 =	vmin.f32 v8, v3;
	v8 =	vld [tilespmem:s28+$0xFFFFFFC0];
	v18 =	vmin.f32 v16, v12;
	v10 =	vmax.f32 v14, v10  }
0x3b: {  	v11 =	vld [tilespmem:s28+$0x30];
	v12 =	vmax.f32 v16, v12;
	v14 =	vmin.f32 v17, v9;
	v3 =	vmax.f32 v6, v3  }
0x3c: {  	v6 =	vmax.f32 v10, v13;
	v9 =	vmax.f32 v17, v9;
	v10 =	vmin.f32 v10, v13;
	v13 =	vld [tilespmem:s28+$0x50]  }
0x3d: {  	v3 =	vmax.f32 v3, v14;
	v14 =	vmax.f32 v9, v10;
	v9 =	vmin.f32 v9, v10;
	v10 =	vld [tilespmem:s28+$0xFFFFFFE0]  }
0x3e: {  	v16 =	vld [tilespmem:s28+$0x70];
	v20 =	vmax.f32 v6, v15;
	v6 =	vmin.f32 v6, v15;
	v3 =	vmax.f32 v3, v9  }
0x3f: {  	v15 =	vld [tilespmem:s28+$0x0];
	v17 =	vmin.f32 v12, v8;
	v12 =	vmax.f32 v12, v8;
	v8 =	vmax.f32 v20, v19  }
0x40: {  	v19 =	vmin.f32 v20, v19;
	v21 =	vmax.f32 v8, v11;
	v9 =	vmin.f32 v8, v11  }
0x41: {  	v11 =	vmin.f32 v14, v6;
	v14 =	vmax.f32 v14, v6;
	v22 =	vmax.f32 v21, v13  }
0x42: {  	v8 =	vmin.f32 v21, v13;
	v13 =	vmin.f32 v7, v4;
	v23 =	vmax.f32 v12, v10  }
0x43: {  	v20 =	vld [tilespmem:s28+$0x20];
	v3 =	vmax.f32 v3, v11;
	v11 =	vmin.f32 v14, v19;
	v12 =	vmin.f32 v12, v10  }
0x44: {  	v4 =	vmax.f32 v7, v4;
	v6 =	vmin.f32 v22, v16;
	v24 =	vmax.f32 v23, v15  }
0x45: {  	v61 =	vld [tilespmem:s28+$0x40];
	v10 =	vmax.f32 v3, v11;
	v3 =	vmax.f32 v22, v16;
	v7 =	vmax.f32 v4, v18  }
0x46: {  	v4 =	vmin.f32 v4, v18;
	v18 =	vmin.f32 v23, v15;
	v5 =	vmax.f32 v5, v13  }
0x47: {  	v15 =	vmax.f32 v7, v17;
	v17 =	vmin.f32 v7, v17;
	v7 =	vld [tilespmem:s28+$0x60];
	v4 =	vmax.f32 v5, v4  }
0x48: {  	v25 =	vmax.f32 v24, v20;
	v62 =	vmax.f32 v15, v12;
	v63 =	vmin.f32 v15, v12  }
0x49: {  	v15 =	vmax.f32 v14, v19;
	v14 =	vmin.f32 v24, v20;
	v4 =	vmax.f32 v4, v17  }
0x4a: {  	v11 =	vmin.f32 v25, v61;
	v13 =	vmax.f32 v62, v18;
	v12 =	vmax.f32 v25, v61  }
0x4b: {  	v18 =	vmin.f32 v62, v18;
	v19 =	vmax.f32 v4, v63;
	v16 =	vmax.f32 v13, v14  }
0x4c: {  	s26 =	simm.s32 $0x0;
	s28 =	sadd.s32 $0x100, s28;
	v17 =	vmax.f32 v15, v9;
	v5 =	vmin.f32 v16, v11;
	v4 =	vmax.f32 v12, v7  }
.LBB2_8:
0x4d: {  	v20 =	vld [tilespmem:s28+$0xFFFFFF90];
	s26 =	sadd.s32 $0x100, s26;
	v18 =	vmax.f32 v19, v18;
	v9 =	vmin.f32 v15, v9;
	v15 =	vmin.f32 v17, v8  }
0x4e: {  	v13 =	vmin.f32 v13, v14;
	v11 =	vmax.f32 v16, v11;
	v8 =	vmax.f32 v17, v8;
	v19 =	vld [tilespmem:s28+$0xFFFFFFB0];
	p3 =	slt.u32 s26, $0xF00  }
0x4f: {  	v7 =	vmin.f32 v12, v7;
	v9 =	vmax.f32 v10, v9;
	v10 =	vmin.f32 v8, v6;
	v14 =	vld [tilespmem:s28+$0xFFFFFF80]  }
0x50: {  	v13 =	vmax.f32 v18, v13;
	v6 =	vmax.f32 v8, v6;
	v9 =	vmax.f32 v9, v15;
	v12 =	vld [tilespmem:s28+$0xFFFFFFA0]  }
0x51: {  	v5 =	vmax.f32 v13, v5;
	v13 =	vmin.f32 v11, v7;
	v9 =	vmax.f32 v9, v10;
	v8 =	vld [tilespmem:s28+$0xFFFFFFD0]  }
0x52: {  	v7 =	vmax.f32 v11, v7;
	v5 =	vmax.f32 v5, v13;
	v10 =	vmax.f32 v3, v20;
	v15 =	vld [tilespmem:s28+$0xFFFFFFF0]  }
0x53: {  	v3 =	vmin.f32 v3, v20;
	v11 =	vmin.f32 v10, v19  }
0x54: {  	v16 =	vmax.f32 v6, v3;
	v3 =	vmin.f32 v6, v3;
	v13 =	vmax.f32 v4, v14;
	v6 =	vld [tilespmem:s28+$0xFFFFFFC0]  }
0x55: {  	v10 =	vmax.f32 v10, v19;
	v18 =	vmin.f32 v16, v11;
	v17 =	vmin.f32 v13, v12;
	v19 =	vld [tilespmem:s28+$0x10]  }
0x56: {  	v4 =	vmin.f32 v4, v14;
	v3 =	vmax.f32 v9, v3;
	v9 =	vmax.f32 v10, v8;
	v14 =	vld [tilespmem:s28+$0x30]  }
0x57: {  	v11 =	vmax.f32 v16, v11;
	v3 =	vmax.f32 v3, v18;
	v8 =	vmin.f32 v10, v8;
	v10 =	vld [tilespmem:s28+$0x50]  }
0x58: {  	v12 =	vmax.f32 v13, v12;
	v13 =	vmax.f32 v11, v8;
	v8 =	vmin.f32 v11, v8;
	v11 =	vld [tilespmem:s28+$0x70]  }
0x59: {  	v20 =	vmax.f32 v9, v15;
	v15 =	vmin.f32 v9, v15;
	v16 =	vmin.f32 v12, v6;
	v18 =	vld [tilespmem:s28+$0xFFFFFFE0]  }
0x5a: {  	v12 =	vmax.f32 v12, v6;
	v21 =	vld [tilespmem:s28+$0x0];
	v6 =	vmax.f32 v20, v19;
	v19 =	vmin.f32 v20, v19  }
0x5b: {  	v3 =	vmax.f32 v3, v8;
	v20 =	vld [tilespmem:s28+$0x20];
	v8 =	vmax.f32 v6, v14;
	v9 =	vmin.f32 v6, v14  }
0x5c: {  	v14 =	vmin.f32 v13, v15;
	v22 =	vmax.f32 v8, v10;
	v8 =	vmin.f32 v8, v10  }
0x5d: {  	v23 =	vmin.f32 v7, v4;
	v13 =	vmax.f32 v13, v15;
	v24 =	vld [tilespmem:s28+$0x40];
	v6 =	vmin.f32 v22, v11  }
0x5e: {  	v3 =	vmax.f32 v3, v14;
	v10 =	vmin.f32 v13, v19;
	v15 =	vmax.f32 v12, v18  }
0x5f: {  	v10 =	vmax.f32 v3, v10;
	v12 =	vmin.f32 v12, v18;
	v14 =	vmax.f32 v15, v21  }
0x60: {  	v4 =	vmax.f32 v7, v4;
	v3 =	vmax.f32 v22, v11;
	v18 =	vmax.f32 v14, v20  }
0x61: {  	v7 =	vmax.f32 v4, v17;
	v4 =	vmin.f32 v4, v17;
	v17 =	vmin.f32 v15, v21  }
0x62: {  	v15 =	vmax.f32 v7, v16;
	v21 =	vmin.f32 v7, v16;
	v11 =	vmin.f32 v18, v24;
	v7 =	vld [tilespmem:s28+$0x60]  }
.Ltmp4:
0x63: {  	v22 =	vmax.f32 v15, v12;
	v25 =	vmin.f32 v15, v12;
	v15 =	vmax.f32 v13, v19;
	(pc) =	sbr.rel @p3 .LBB2_8-.Ltmp4, $4  }
0x64: {  	v5 =	vmax.f32 v5, v23;
	v14 =	vmin.f32 v14, v20;
	v13 =	vmax.f32 v22, v17  }
0x65: {  	v4 =	vmax.f32 v5, v4;
	v16 =	vmax.f32 v13, v14;
	v12 =	vmax.f32 v18, v24  }
0x66: {  	v4 =	vmax.f32 v4, v21;
	v18 =	vmin.f32 v22, v17;
	v5 =	vmin.f32 v16, v11  }
0x67: {  	v19 =	vmax.f32 v4, v25;
	v17 =	vmax.f32 v15, v9;
	s28 =	sadd.s32 $0x100, s28;
	v4 =	vmax.f32 v12, v7  }
0x68: {  	p3 =	sgt.u32 s24, $0x3  }
0x69: {  	s24 =	sadd.s32 $0x1, s24;
	p4 =	sne.s32 @!p3 s25, $0x0;
	p2 =	por !p2, p3  }
0x6a: {  	p1 =	por !p1, p3;
	p0 =	por !p0, p3;
	p4 =	por p4, p3  }
0x6b: {  	s25 =	simm.s32 @!p4 $0x80;
	s26 =	simm.s32 @!p4 $0x400;
	s28 =	simm.s32 @!p4 $0x0  }
0x6c: {  	[tilespmem:s28], [sflag:$0x1] =	stream.strided.gather @!p4 [hbm4b:s8+s25], $0x1000, s26, s25, $0x38;
	[tilespmem:$0x4100] =	vst v63  }
0x6d: {  	s25 =	simm.s32 @!p2 $0x80;
	s26 =	simm.s32 @!p2 $0x400;
	s28 =	simm.s32 @!p2 $0x1000  }
0x6e: {  	[tilespmem:s28], [sflag:$0x2] =	stream.strided.gather @!p2 [hbm4b:s9+s25], $0x1000, s26, s25, $0x38;
	[tilespmem:$0x4100] =	vst v63  }
0x6f: {  	s25 =	simm.s32 @!p1 $0x80;
	s26 =	simm.s32 @!p1 $0x400;
	s28 =	simm.s32 @!p1 $0x2000  }
0x70: {  	[tilespmem:s28], [sflag:$0x3] =	stream.strided.gather @!p1 [hbm4b:s10+s25], $0x1000, s26, s25, $0x38;
	[tilespmem:$0x4100] =	vst v63  }
0x71: {  	s25 =	simm.s32 @!p0 $0x80;
	s26 =	simm.s32 @!p0 $0x400;
	s28 =	simm.s32 @!p0 $0x3000  }
0x72: {  	[tilespmem:s28], [sflag:$0x4] =	stream.strided.gather @!p0 [hbm4b:s11+s25], $0x1000, s26, s25, $0x38;
	[tilespmem:$0x4100] =	vst v63  }
0x73: {  	v18 =	vmax.f32 v19, v18;
	v9 =	vmin.f32 v15, v9;
	p0 =	sne.s32 s24, $0x8  }
.Ltmp5:
0x74: {  	v61 =	vmin.f32 v17, v8;
	v13 =	vmin.f32 v13, v14;
	v11 =	vmax.f32 v16, v11;
	(pc) =	sbr.rel @p0 .LBB2_2-.Ltmp5, $4  }
0x75: {  	v8 =	vmax.f32 v17, v8;
	v7 =	vmin.f32 v12, v7;
	v9 =	vmax.f32 v10, v9  }
0x76: {  	v10 =	vmin.f32 v8, v6;
	v62 =	vmax.f32 v18, v13;
	v8 =	vmax.f32 v8, v6  }
0x77: {  	v63 =	vmin.f32 v11, v7;
	v9 =	vmax.f32 v9, v61;
	v5 =	vmax.f32 v62, v5  }
0x78: {  	s23 =	sadd.s32 $0x1, s23;
	v7 =	vmax.f32 v11, v7;
	v6 =	vmax.f32 v9, v10;
	v5 =	vmax.f32 v5, v63  }
0x79: {  	v9 =	vmax.f32 v4, v3  }
0x7a: {  	v10 =	vmax.f32 v9, v8  }
0x7b: {  	v11 =	vmax.f32 v10, v6  }
0x7c: {  	(xrf0) =	vmax.scan.msk.f32 $0xffff, v11;
	_ =	sdelay $0x5  }
0x7d: {  	v12, _, _ =	vpop (xrf0)  }
0x7e: {  	v13 =	vbroadcast v12, $0xF;
	_ =	sdelay $0x1  }
0x7f: {  	vm0 =	veq.f32 v11, v13  }
0x80: {  	v13 =	vsel vm0, $0x1, v0  }
0x81: {  	(xrf0) =	vadd.scan.msk.s32 $0xffff, v13;
	_ =	sdelay $0x4  }
0x82: {  	v3 =	vmin.f32 v4, v3  }
0x83: {  	v4 =	vmax.f32 v7, v3;
	v55 =	vmin.f32 v9, v8;
	v56, _, _ =	vpop (xrf0)  }
0x84: {  	v57 =	vmax.f32 v4, v55;
	v58 =	vmin.f32 v10, v6;
	vm1 =	veq.s32 v56, $0x1  }
0x85: {  	v59 =	vmax.f32 v57, v58;
	vm0 =	vmand vm0, vm1  }
0x86: {  	v60 =	vsel vm0, v59, v11  }
0x87: {  	(xrf0) =	vmax.scan.msk.f32 $0xffff, v60;
	_ =	sdelay $0x5  }
0x88: {  	v61, _, _ =	vpop (xrf0)  }
0x89: {  	v14 =	vbroadcast v61, $0xF;
	_ =	sdelay $0x1  }
0x8a: {  	vm12 =	veq.f32 v60, v14  }
0x8b: {  	v14 =	vsel vm12, $0x1, v0  }
0x8c: {  	(xrf0) =	vadd.scan.msk.s32 $0xffff, v14;
	_ =	sdelay $0x3  }
0x8d: {  	v3 =	vmin.f32 v7, v3  }
0x8e: {  	v3 =	vmax.f32 v5, v3;
	v4 =	vmin.f32 v4, v55  }
0x8f: {  	v3 =	vmax.f32 v3, v4;
	v62 =	vmin.f32 v57, v58;
	v63, _, _ =	vpop (xrf0)  }
0x90: {  	v3 =	vmax.f32 v3, v62;
	vm2 =	veq.s32 v63, $0x1  }
0x91: {  	v3 =	vsel vm0, v3, v59;
	vm13 =	vmand vm12, vm2  }
0x92: {  	v3 =	vsel vm13, v3, v60  }
0x93: {  	(xrf0) =	vmax.scan.msk.f32 $0xffff, v3;
	_ =	sdelay $0x1  }
0x94: {  	(v2sf) =	vpush v2, $0x0  }
0x95: {  	(v2sf) =	vpush v2, $0x1  }
0x96: {  	(v2sf) =	vpush v2, $0x2  }
0x97: {  	(v2sf) =	vpush v12, $0xF  }
0x98: {  	(v2sf) =	vpush v61, $0xF;
	v2, _, _ =	vpop (xrf0)  }
0x99: {  	(v2sf) =	vpush v2, $0xF;
	_ =	sdelay $0x9  }
0x9a: {  	s23 =	spop (v2sf)  }
0x9b: {  	s24 =	spop (v2sf)  }
0x9c: {  	s25 =	spop (v2sf)  }
0x9d: {  	s26 =	spop (v2sf)  }
0x9e: {  	s28 =	spop (v2sf)  }
0x9f: {  	s26 =	sadd.f32 s26, s26;
	s29 =	spop (v2sf)  }
0xa0: {  	s29 =	sadd.f32 s29, s29  }
0xa1: {  	s28 =	sadd.f32 s28, s28  }
0xa2: {  	s25 =	sadd.f32 s29, s25  }
0xa3: {  	s23 =	sadd.f32 s26, s23  }
0xa4: {  	vm14 =	veq.s32 v1, $0x0;
	s24 =	sadd.f32 s28, s24;
	v2 =	vmov s25  }
0xa5: {  	vm15 =	veq.s32 v1, $0x1;
	s22 =	sadd.s32 $0x1, s22;
	v2 =	vsel vm14, s23, v2  }
0xa6: {  	p0 =	sne.s32 s22, s13;
	v2 =	vsel vm15, s24, v2  }
.Ltmp6:
0xa7: {  	[tilespmem:$0x4080] =	vst v2;
	(pc) =	sbr.rel @p0 .LBB2_1-.Ltmp6, $4  }
0xa8: {  	[hbm4b:s12+s3] =	stream.linear.scatter [tilespmem:s21], [sflag:$0x5], $0x8, $0x38;
	[tilespmem:$0x4100] =	vst v63  }
0xa9: {  	_ =	swait.ge [sflag:s20], $0x8  }
0xaa: {  	[sflag:s20] =	ssyncset.done $0x0  }
0xab: {  	[sflag:s20] =	ssyncadd.s32 $0xFFFFFFF8  }
0xac: {  	_ =	sfence.sel $0x180000  }
0xad: {  	[bflag:$0x0] =	sbarrier.arrive $0xFFFF  }
0xae: {  	p0 =	sne.s32 s0, $0x0;
	_ =	strace $0x90000047  }
0xaf: {  	s0 =	sadd.s32 @!p0 $0x100000, s1;
	[bflag:$0x2] =	sbarrier.arrive $0xFFFF  }
0xb0: {  	[sflag:s0] =	ssyncadd.tile.s32 @!p0 $0x1;
	_ =	shalt  }
.Lfunc_end2:
_tile_overlayer_lowered:
.L_overlay_start_2:
0xb1: {  	(tag) =	ssettag $0x2  }
0xb2: {  	s0 =	rddreg [dreg:$0x0];
	s2 =	stileid.u32  }
0xb3: {  	s1 =	rddreg [dreg:$0x1];
	p0 =	sne.s32 s2, $0x0  }
0xb4: {  	s3 =	rddreg [dreg:$0x2];
	[bflag:$0x3] =	sbarrier.arrive $0xFFFF;
	s2 =	simm.s32 @!p0 $0x1C05  }
0xb5: {  	[timem:s3], [sflag:s2] =	dma.local @!p0 [hbm:s0], s1  }
0xb6: {  	s0 =	simm.s32 @!p0 $0x5  }
0xb7: {  	_ =	swait.ge @!p0 [sflag:s0], s1  }
0xb8: {  	s1 =	ssub.s32 @!p0 $0x0, s1;
	[sflag:s0] =	ssyncset.done @!p0 $0x0  }
0xb9: {  	[sflag:s0] =	ssyncadd.s32 @!p0 s1  }
0xba: {  	[bflag:$0x3] =	sbarrier.arrive $0xFFFF  }
0xbb: {  	_ =	shalt  }

</sc_bundles>
